<compile_context>
chip_gen: v7x
topology: tpu7x:2x2x1
jax: 0.10.2.dev20260603
libtpu: 0.0.44.dev20260713+nightly
codegen_flags: <defaults>
</compile_context>

<pallas_src>
import functools

import jax
import jax.numpy as jnp
from jax import lax
from jax.experimental import pallas as pl
from jax.experimental.pallas import tpu as pltpu
from jax.experimental.pallas import tpu_sc as plsc

_D = 32
_B = 16384
_S = 50
_SP = 56
_LANES = 128

_NW = 32
_BW = 256
_NCH = _B // _BW
_MAIN_UNITS = 6 * _NCH
_TAIL_UNITS = _NCH


def _body(tab_hbm, ids_hbm, out_hbm, idsv, idxb, ev,
          sem0, sem1, sem2, osem0, osem1):
    wid = lax.axis_index("s") * 2 + lax.axis_index("c")
    sems = (sem0, sem1, sem2)
    osems = (osem0, osem1)

    def run_unit(u, nsl):
        blk = u // _NCH
        s0 = blk * 8
        b0 = (u % _NCH) * _BW
        pltpu.sync_copy(ids_hbm.at[pl.ds(s0, 8), pl.ds(b0, _BW)], idsv)

        def wait_out(par):
            pltpu.make_async_copy(
                ev.at[pl.ds(0, _BW)], out_hbm.at[pl.ds(0, _BW)],
                osems[par]).wait()

        for sl in range(nsl + 1):
            p = sl % 3
            if sl < nsl:
                if sl >= 3:
                    wait_out((sl - 2) % 2)

                def idx_build(i, c3, sl=sl, p=p):
                    idxb[pl.ds(p * _BW + i * 16, 16)] = idsv[
                        sl, pl.ds(i * 16, 16)].astype(jnp.int32)
                    return c3

                lax.fori_loop(0, _BW // 16, idx_build, 0)
                for t in range(_BW // 128):
                    pltpu.async_copy(
                        tab_hbm.at[idxb.at[pl.ds(p * _BW + t * 128, 128)]],
                        ev.at[pl.ds(p * _BW + t * 128, 128), :], sems[p])
            if sl >= 1:
                q = (sl - 1) % 3
                for t in range(_BW // 128):
                    pltpu.make_async_copy(
                        tab_hbm.at[idxb.at[pl.ds(0, 128)]],
                        ev.at[pl.ds(q * _BW + t * 128, 128), :],
                        sems[q]).wait()
                row0 = (s0 + (sl - 1)) * _B + b0
                pltpu.async_copy(ev.at[pl.ds(q * _BW, _BW)],
                                 out_hbm.at[pl.ds(row0, _BW)],
                                 osems[sl % 2])
        for s in range(max(1, nsl - 2), nsl + 1):
            wait_out(s % 2)

    def main_unit(k, carry):
        run_unit(wid + k * _NW, 8)
        return carry

    def tail_unit(k, carry):
        run_unit(6 * _NCH + wid + k * _NW, 2)
        return carry

    lax.fori_loop(0, _MAIN_UNITS // _NW, main_unit, 0)
    lax.fori_loop(0, _TAIL_UNITS // _NW, tail_unit, 0)


@functools.partial(
    pl.kernel,
    mesh=plsc.VectorSubcoreMesh(core_axis_name="c", subcore_axis_name="s"),
    out_type=jax.ShapeDtypeStruct((_S * _B, _LANES), jnp.float32),
    scratch_types=[
        pltpu.VMEM((8, _BW), jnp.float32),
        pltpu.VMEM((3 * _BW,), jnp.int32),
        pltpu.VMEM((3 * _BW, _LANES), jnp.float32),
        pltpu.SemaphoreType.DMA,
        pltpu.SemaphoreType.DMA,
        pltpu.SemaphoreType.DMA,
        pltpu.SemaphoreType.DMA,
        pltpu.SemaphoreType.DMA,
    ],
)
def _sc_embed(tab_hbm, ids_hbm, out_hbm, idsv, idxb, ev,
              sem0, sem1, sem2, osem0, osem1):
    _body(tab_hbm, ids_hbm, out_hbm, idsv, idxb, ev,
          sem0, sem1, sem2, osem0, osem1)


def kernel(x, embed_weight):
    tabp = jnp.concatenate(
        [embed_weight,
         jnp.zeros((embed_weight.shape[0], _LANES - _D), jnp.float32)],
        axis=1)
    idsp = jnp.pad(x[:, :, 0], ((0, 0), (0, _SP - _S))).T
    embf = _sc_embed(tabp, idsp)
    emb = embf.reshape(_S, _B, _LANES)[:, :, :_D].transpose(1, 0, 2)
    return jnp.concatenate([emb, x[:, :, 1:]], axis=-1)

# --- scband reference (transcript-rebuilt; emitter-appended) ---
"""Pipeline reference for scband-embed-stations-52999896433114 (READ-ONLY COPY).

The authoritative reference and input builder live on the scoring server;
editing this copy changes nothing except your own understanding.
"""

import jax, jax.numpy as jnp
import numpy as np

NUM_STATIONS = 1000000
EMBED_DIM = 32
BATCH = 16384
SEQ = 50
N_EXTRA = 16


def setup_inputs(seed: int = 0) -> dict:
    key = jax.random.key(seed)
    k1, k2, k3 = jax.random.split(key, 3)
    station_ids = jax.random.randint(k1, (BATCH, SEQ, 1), 0, NUM_STATIONS).astype(jnp.float32)
    feats = jax.random.normal(k2, (BATCH, SEQ, N_EXTRA), dtype=jnp.float32)
    x = jnp.concatenate([station_ids, feats], axis=-1)
    embed_weight = jax.random.normal(k3, (NUM_STATIONS, EMBED_DIM), dtype=jnp.float32) * 0.02
    return {"x": x, "embed_weight": embed_weight}


def reference(x, embed_weight):
    # station_ids = x[..., 0].long()
    station_ids = x[..., 0].astype(jnp.int32)
    # emb_station = self.embed(station_ids)
    emb_station = jnp.take(embed_weight, station_ids, axis=0)
    # x = torch.cat((emb_station, x[..., 1:]), dim=-1)
    out = jnp.concatenate([emb_station, x[..., 1:]], axis=-1)
    return out

if __name__ == "__main__":
    import jax
    _d = setup_inputs()
    print(jax.jit(kernel)(*tuple(_d.values())))

</pallas_src>

<mosaic_0001>
#map = affine_map<(d0, d1) -> (0, 0)>
module attributes {stable_mosaic.version = 14 : i64} {
  func.func @_sc_embed(%arg0: i32, %arg1: i32, %arg2: memref<1000000x128xf32, #tpu.memory_space<hbm>>, %arg3: memref<56x16384xf32, #tpu.memory_space<hbm>>, %arg4: memref<819200x128xf32, #tpu.memory_space<hbm>>, %arg5: memref<8x256xf32, #tpu.memory_space<vmem>>, %arg6: memref<768xi32, #tpu.memory_space<vmem>>, %arg7: memref<768x128xf32, #tpu.memory_space<vmem>>, %arg8: memref<!tpu.dma_semaphore, #tpu.memory_space<semaphore_mem>>, %arg9: memref<!tpu.dma_semaphore, #tpu.memory_space<semaphore_mem>>, %arg10: memref<!tpu.dma_semaphore, #tpu.memory_space<semaphore_mem>>, %arg11: memref<!tpu.dma_semaphore, #tpu.memory_space<semaphore_mem>>, %arg12: memref<!tpu.dma_semaphore, #tpu.memory_space<semaphore_mem>>) attributes {dimension_semantics = [#tpu.dimension_semantics<core_parallel>, #tpu.dimension_semantics<subcore_parallel>], iteration_bounds = array<i64: 2, 16>, scalar_prefetch = 0 : i64, scratch_operands = 8 : i64, tpu.core_type = #tpu.core_type<sc_vector_subcore>, window_params = [{transform_indices = #map}, {transform_indices = #map}, {transform_indices = #map}]} {
    %mul3A = arith.constant 2 : i32
    %mul3A_0 = arith.muli %arg1, %mul3A : i32
    %add3A = arith.addi %mul3A_0, %arg0 : i32
    %scan3A = arith.constant 0 : i32
    %scan3A_1 = arith.constant 0 : i32
    %scan3A_2 = arith.constant 12 : i32
    %scan3A_3 = arith.addi %scan3A_1, %scan3A_2 : i32
    %scan3A_4 = arith.constant 1 : i32
    scf.for %scan3A_12 = %scan3A_1 to %scan3A_3 step %scan3A_4  : i32 {
      %mul3A_13 = arith.constant 32 : i32
      %mul3A_14 = arith.muli %scan3A_12, %mul3A_13 : i32
      %add3A_15 = arith.addi %add3A, %mul3A_14 : i32
      %jit3A = arith.constant 64 : i32
      %div3A = arith.divsi %add3A_15, %jit3A : i32
      %sign3A = arith.constant 0 : i32
      %sign3A_16 = arith.cmpi sgt, %add3A_15, %sign3A : i32
      %sign3A_17 = arith.extui %sign3A_16 : i1 to i32
      %sign3A_18 = arith.constant 0 : i32
      %sign3A_19 = arith.cmpi slt, %add3A_15, %sign3A_18 : i32
      %sign3A_20 = arith.extui %sign3A_19 : i1 to i32
      %sign3A_21 = arith.subi %sign3A_17, %sign3A_20 : i32
      %sign3A_22 = arith.constant 0 : i32
      %sign3A_23 = arith.cmpi sgt, %jit3A, %sign3A_22 : i32
      %sign3A_24 = arith.extui %sign3A_23 : i1 to i32
      %sign3A_25 = arith.constant 0 : i32
      %sign3A_26 = arith.cmpi slt, %jit3A, %sign3A_25 : i32
      %sign3A_27 = arith.extui %sign3A_26 : i1 to i32
      %sign3A_28 = arith.subi %sign3A_24, %sign3A_27 : i32
      %ne3A = arith.cmpi ne, %sign3A_21, %sign3A_28 : i32
      %rem3A = arith.remsi %add3A_15, %jit3A : i32
      %ne3A_29 = arith.constant 0 : i32
      %ne3A_30 = arith.cmpi ne, %rem3A, %ne3A_29 : i32
      %and3A = arith.andi %ne3A, %ne3A_30 : i1
      %sub3A = arith.constant 1 : i32
      %sub3A_31 = arith.subi %div3A, %sub3A : i32
      %select_n3A = arith.select %and3A, %sub3A_31, %div3A : i32
      %mul3A_32 = arith.constant 8 : i32
      %mul3A_33 = arith.muli %select_n3A, %mul3A_32 : i32
      %jit3A_34 = arith.constant 64 : i32
      %eq3A = arith.constant 0 : i32
      %eq3A_35 = arith.cmpi eq, %jit3A_34, %eq3A : i32
      %jit3A_36 = arith.constant 1 : i32
      %select_n3A_37 = arith.select %eq3A_35, %jit3A_36, %jit3A_34 : i32
      %rem3A_38 = arith.remsi %add3A_15, %select_n3A_37 : i32
      %ne3A_39 = arith.constant 0 : i32
      %ne3A_40 = arith.cmpi ne, %rem3A_38, %ne3A_39 : i32
      %lt3A = arith.constant 0 : i32
      %lt3A_41 = arith.cmpi slt, %rem3A_38, %lt3A : i32
      %lt3A_42 = arith.constant 0 : i32
      %lt3A_43 = arith.cmpi slt, %select_n3A_37, %lt3A_42 : i32
      %ne3A_44 = arith.xori %lt3A_41, %lt3A_43 : i1
      %and3A_45 = arith.andi %ne3A_44, %ne3A_40 : i1
      %add3A_46 = arith.addi %rem3A_38, %select_n3A_37 : i32
      %select_n3A_47 = arith.select %and3A_45, %add3A_46, %rem3A_38 : i32
      %mul3A_48 = arith.constant 256 : i32
      %mul3A_49 = arith.muli %select_n3A_47, %mul3A_48 : i32
      "tpu.region"() ({
        %run_scoped3A = tpu.sem_alloc : memref<!tpu.dma_semaphore, #tpu.memory_space<semaphore_mem>>
        %dma_start3A_568 = tpu.memref_slice %arg3[%mul3A_33, %mul3A_49] : memref<56x16384xf32, #tpu.memory_space<hbm>> -> memref<8x256xf32, #tpu.memory_space<hbm>>
        %dma_start3A_569 = tpu.memref_slice %arg3[%mul3A_33, %mul3A_49] : memref<56x16384xf32, #tpu.memory_space<hbm>> -> memref<8x256xf32, #tpu.memory_space<hbm>>
        tpu.enqueue_dma source(%dma_start3A_569 : memref<8x256xf32, #tpu.memory_space<hbm>>) target(%arg5 : memref<8x256xf32, #tpu.memory_space<vmem>>) target_semaphore(%run_scoped3A : memref<!tpu.dma_semaphore, #tpu.memory_space<semaphore_mem>>)
        %dma_wait3A_570 = tpu.memref_slice %arg3[%mul3A_33, %mul3A_49] : memref<56x16384xf32, #tpu.memory_space<hbm>> -> memref<8x256xf32, #tpu.memory_space<hbm>>
        %dma_wait3A_571 = tpu.memref_slice %arg3[%mul3A_33, %mul3A_49] : memref<56x16384xf32, #tpu.memory_space<hbm>> -> memref<8x256xf32, #tpu.memory_space<hbm>>
        tpu.wait_dma2 semaphore(%run_scoped3A : memref<!tpu.dma_semaphore, #tpu.memory_space<semaphore_mem>>) src(%dma_wait3A_571 : memref<8x256xf32, #tpu.memory_space<hbm>>) dst(%arg5 : memref<8x256xf32, #tpu.memory_space<vmem>>)
        tpu.yield
      }) : () -> ()
      %scan3A_50 = arith.constant 0 : i32
      %scan3A_51 = arith.constant 0 : i32
      %scan3A_52 = arith.constant 16 : i32
      %scan3A_53 = arith.addi %scan3A_51, %scan3A_52 : i32
      %scan3A_54 = arith.constant 1 : i32
      scf.for %scan3A_568 = %scan3A_51 to %scan3A_53 step %scan3A_54  : i32 {
        %mul3A_569 = arith.constant 16 : i32
        %mul3A_570 = arith.muli %scan3A_568, %mul3A_569 : i32
        %get3A = arith.constant 0 : i32
        %get3A_571 = arith.index_cast %get3A : i32 to index
        %get3A_572 = arith.index_cast %mul3A_570 : i32 to index
        %get3A_573 = tpu.vector_load %arg5[%get3A_571, %get3A_572] {strides = array<i32>} : memref<8x256xf32, #tpu.memory_space<vmem>>, vector<1x16xf32>,
        %get3A_574 = vector.shape_cast %get3A_573 : vector<1x16xf32> to vector<16xf32>
        %convert_element_type3A = arith.fptosi %get3A_574 : vector<16xf32> to vector<16xi32>
        %mul3A_575 = arith.constant 16 : i32
        %mul3A_576 = arith.muli %scan3A_568, %mul3A_575 : i32
        %add3A_577 = arith.constant 0 : i32
        %add3A_578 = arith.addi %add3A_577, %mul3A_576 : i32
        %swap3A = arith.index_cast %add3A_578 : i32 to index
        %swap3A_579 = tpu.vector_load %arg6[%swap3A] {strides = array<i32>} : memref<768xi32, #tpu.memory_space<vmem>>, vector<16xi32>,
        %swap3A_580 = vector.shape_cast %swap3A_579 : vector<16xi32> to vector<16xi32>
        %swap3A_581 = vector.shape_cast %convert_element_type3A : vector<16xi32> to vector<16xi32>
        tpu.vector_store %arg6[%swap3A], %swap3A_581 {strides = array<i32>} : memref<768xi32, #tpu.memory_space<vmem>>, vector<16xi32>,
      }
      %scan3A_55 = arith.constant 16 : i32
      %dma_start3A = arith.constant 0 : i32
      %dma_start3A_56 = arith.constant 0 : i32
      %dma_start3A_57 = tpu.memref_slice %arg7[%dma_start3A, %dma_start3A_56] : memref<768x128xf32, #tpu.memory_space<vmem>> -> memref<128x128xf32, #tpu.memory_space<vmem>>
      %dma_start3A_58 = arith.constant 0 : i32
      %dma_start3A_59 = tpu.memref_slice %arg6[%dma_start3A_58] : memref<768xi32, #tpu.memory_space<vmem>> -> memref<128xi32, #tpu.memory_space<vmem>>
      %dma_start3A_60 = arith.constant 0 : i32
      %dma_start3A_61 = arith.constant 0 : i32
      %dma_start3A_62 = tpu.memref_slice %arg2[%dma_start3A_60, %dma_start3A_61] : memref<1000000x128xf32, #tpu.memory_space<hbm>> -> memref<1000000x128xf32, #tpu.memory_space<hbm>>
      tpu.enqueue_indirect_dma source(%dma_start3A_62 : memref<1000000x128xf32, #tpu.memory_space<hbm>>) target(%dma_start3A_57 : memref<128x128xf32, #tpu.memory_space<vmem>>) offsets(%dma_start3A_59 : memref<128xi32, #tpu.memory_space<vmem>>) semaphore(%arg8 : memref<!tpu.dma_semaphore, #tpu.memory_space<semaphore_mem>>)
      %dma_start3A_63 = arith.constant 128 : i32
      %dma_start3A_64 = arith.constant 0 : i32
      %dma_start3A_65 = tpu.memref_slice %arg7[%dma_start3A_63, %dma_start3A_64] : memref<768x128xf32, #tpu.memory_space<vmem>> -> memref<128x128xf32, #tpu.memory_space<vmem>>
      %dma_start3A_66 = arith.constant 128 : i32
      %dma_start3A_67 = tpu.memref_slice %arg6[%dma_start3A_66] : memref<768xi32, #tpu.memory_space<vmem>> -> memref<128xi32, #tpu.memory_space<vmem>>
      %dma_start3A_68 = arith.constant 0 : i32
      %dma_start3A_69 = arith.constant 0 : i32
      %dma_start3A_70 = tpu.memref_slice %arg2[%dma_start3A_68, %dma_start3A_69] : memref<1000000x128xf32, #tpu.memory_space<hbm>> -> memref<1000000x128xf32, #tpu.memory_space<hbm>>
      tpu.enqueue_indirect_dma source(%dma_start3A_70 : memref<1000000x128xf32, #tpu.memory_space<hbm>>) target(%dma_start3A_65 : memref<128x128xf32, #tpu.memory_space<vmem>>) offsets(%dma_start3A_67 : memref<128xi32, #tpu.memory_space<vmem>>) semaphore(%arg8 : memref<!tpu.dma_semaphore, #tpu.memory_space<semaphore_mem>>)
      %scan3A_71 = arith.constant 0 : i32
      %scan3A_72 = arith.constant 0 : i32
      %scan3A_73 = arith.constant 16 : i32
      %scan3A_74 = arith.addi %scan3A_72, %scan3A_73 : i32
      %scan3A_75 = arith.constant 1 : i32
      scf.for %scan3A_568 = %scan3A_72 to %scan3A_74 step %scan3A_75  : i32 {
        %mul3A_569 = arith.constant 16 : i32
        %mul3A_570 = arith.muli %scan3A_568, %mul3A_569 : i32
        %get3A = arith.constant 1 : i32
        %get3A_571 = arith.index_cast %get3A : i32 to index
        %get3A_572 = arith.index_cast %mul3A_570 : i32 to index
        %get3A_573 = tpu.vector_load %arg5[%get3A_571, %get3A_572] {strides = array<i32>} : memref<8x256xf32, #tpu.memory_space<vmem>>, vector<1x16xf32>,
        %get3A_574 = vector.shape_cast %get3A_573 : vector<1x16xf32> to vector<16xf32>
        %convert_element_type3A = arith.fptosi %get3A_574 : vector<16xf32> to vector<16xi32>
        %mul3A_575 = arith.constant 16 : i32
        %mul3A_576 = arith.muli %scan3A_568, %mul3A_575 : i32
        %add3A_577 = arith.constant 256 : i32
        %add3A_578 = arith.addi %add3A_577, %mul3A_576 : i32
        %swap3A = arith.index_cast %add3A_578 : i32 to index
        %swap3A_579 = tpu.vector_load %arg6[%swap3A] {strides = array<i32>} : memref<768xi32, #tpu.memory_space<vmem>>, vector<16xi32>,
        %swap3A_580 = vector.shape_cast %swap3A_579 : vector<16xi32> to vector<16xi32>
        %swap3A_581 = vector.shape_cast %convert_element_type3A : vector<16xi32> to vector<16xi32>
        tpu.vector_store %arg6[%swap3A], %swap3A_581 {strides = array<i32>} : memref<768xi32, #tpu.memory_space<vmem>>, vector<16xi32>,
      }
      %scan3A_76 = arith.constant 16 : i32
      %dma_start3A_77 = arith.constant 256 : i32
      %dma_start3A_78 = arith.constant 0 : i32
      %dma_start3A_79 = tpu.memref_slice %arg7[%dma_start3A_77, %dma_start3A_78] : memref<768x128xf32, #tpu.memory_space<vmem>> -> memref<128x128xf32, #tpu.memory_space<vmem>>
      %dma_start3A_80 = arith.constant 256 : i32
      %dma_start3A_81 = tpu.memref_slice %arg6[%dma_start3A_80] : memref<768xi32, #tpu.memory_space<vmem>> -> memref<128xi32, #tpu.memory_space<vmem>>
      %dma_start3A_82 = arith.constant 0 : i32
      %dma_start3A_83 = arith.constant 0 : i32
      %dma_start3A_84 = tpu.memref_slice %arg2[%dma_start3A_82, %dma_start3A_83] : memref<1000000x128xf32, #tpu.memory_space<hbm>> -> memref<1000000x128xf32, #tpu.memory_space<hbm>>
      tpu.enqueue_indirect_dma source(%dma_start3A_84 : memref<1000000x128xf32, #tpu.memory_space<hbm>>) target(%dma_start3A_79 : memref<128x128xf32, #tpu.memory_space<vmem>>) offsets(%dma_start3A_81 : memref<128xi32, #tpu.memory_space<vmem>>) semaphore(%arg9 : memref<!tpu.dma_semaphore, #tpu.memory_space<semaphore_mem>>)
      %dma_start3A_85 = arith.constant 384 : i32
      %dma_start3A_86 = arith.constant 0 : i32
      %dma_start3A_87 = tpu.memref_slice %arg7[%dma_start3A_85, %dma_start3A_86] : memref<768x128xf32, #tpu.memory_space<vmem>> -> memref<128x128xf32, #tpu.memory_space<vmem>>
      %dma_start3A_88 = arith.constant 384 : i32
      %dma_start3A_89 = tpu.memref_slice %arg6[%dma_start3A_88] : memref<768xi32, #tpu.memory_space<vmem>> -> memref<128xi32, #tpu.memory_space<vmem>>
      %dma_start3A_90 = arith.constant 0 : i32
      %dma_start3A_91 = arith.constant 0 : i32
      %dma_start3A_92 = tpu.memref_slice %arg2[%dma_start3A_90, %dma_start3A_91] : memref<1000000x128xf32, #tpu.memory_space<hbm>> -> memref<1000000x128xf32, #tpu.memory_space<hbm>>
      tpu.enqueue_indirect_dma source(%dma_start3A_92 : memref<1000000x128xf32, #tpu.memory_space<hbm>>) target(%dma_start3A_87 : memref<128x128xf32, #tpu.memory_space<vmem>>) offsets(%dma_start3A_89 : memref<128xi32, #tpu.memory_space<vmem>>) semaphore(%arg9 : memref<!tpu.dma_semaphore, #tpu.memory_space<semaphore_mem>>)
      %dma_wait3A = arith.constant 0 : i32
      %dma_wait3A_93 = arith.constant 0 : i32
      %dma_wait3A_94 = tpu.memref_slice %arg7[%dma_wait3A, %dma_wait3A_93] : memref<768x128xf32, #tpu.memory_space<vmem>> -> memref<128x128xf32, #tpu.memory_space<vmem>>
      %dma_wait3A_95 = arith.constant 0 : i32
      %dma_wait3A_96 = tpu.memref_slice %arg6[%dma_wait3A_95] : memref<768xi32, #tpu.memory_space<vmem>> -> memref<128xi32, #tpu.memory_space<vmem>>
      %dma_wait3A_97 = arith.constant 0 : i32
      %dma_wait3A_98 = arith.constant 0 : i32
      %dma_wait3A_99 = tpu.memref_slice %arg2[%dma_wait3A_97, %dma_wait3A_98] : memref<1000000x128xf32, #tpu.memory_space<hbm>> -> memref<1000000x128xf32, #tpu.memory_space<hbm>>
      tpu.wait_indirect_dma semaphore(%arg8 : memref<!tpu.dma_semaphore, #tpu.memory_space<semaphore_mem>>) src(%dma_wait3A_99 : memref<1000000x128xf32, #tpu.memory_space<hbm>>) dst(%dma_wait3A_94 : memref<128x128xf32, #tpu.memory_space<vmem>>)
      %dma_wait3A_100 = arith.constant 128 : i32
      %dma_wait3A_101 = arith.constant 0 : i32
      %dma_wait3A_102 = tpu.memref_slice %arg7[%dma_wait3A_100, %dma_wait3A_101] : memref<768x128xf32, #tpu.memory_space<vmem>> -> memref<128x128xf32, #tpu.memory_space<vmem>>
      %dma_wait3A_103 = arith.constant 0 : i32
      %dma_wait3A_104 = tpu.memref_slice %arg6[%dma_wait3A_103] : memref<768xi32, #tpu.memory_space<vmem>> -> memref<128xi32, #tpu.memory_space<vmem>>
      %dma_wait3A_105 = arith.constant 0 : i32
      %dma_wait3A_106 = arith.constant 0 : i32
      %dma_wait3A_107 = tpu.memref_slice %arg2[%dma_wait3A_105, %dma_wait3A_106] : memref<1000000x128xf32, #tpu.memory_space<hbm>> -> memref<1000000x128xf32, #tpu.memory_space<hbm>>
      tpu.wait_indirect_dma semaphore(%arg8 : memref<!tpu.dma_semaphore, #tpu.memory_space<semaphore_mem>>) src(%dma_wait3A_107 : memref<1000000x128xf32, #tpu.memory_space<hbm>>) dst(%dma_wait3A_102 : memref<128x128xf32, #tpu.memory_space<vmem>>)
      %add3A_108 = arith.constant 0 : i32
      %add3A_109 = arith.addi %mul3A_33, %add3A_108 : i32
      %mul3A_110 = arith.constant 16384 : i32
      %mul3A_111 = arith.muli %add3A_109, %mul3A_110 : i32
      %add3A_112 = arith.addi %mul3A_111, %mul3A_49 : i32
      %dma_start3A_113 = arith.constant 0 : i32
      %dma_start3A_114 = arith.constant 0 : i32
      %dma_start3A_115 = tpu.memref_slice %arg7[%dma_start3A_113, %dma_start3A_114] : memref<768x128xf32, #tpu.memory_space<vmem>> -> memref<256x128xf32, #tpu.memory_space<vmem>>
      %dma_start3A_116 = arith.constant 0 : i32
      %dma_start3A_117 = tpu.memref_slice %arg4[%add3A_112, %dma_start3A_116] : memref<819200x128xf32, #tpu.memory_space<hbm>> -> memref<256x128xf32, #tpu.memory_space<hbm>>
      %dma_start3A_118 = arith.constant 0 : i32
      %dma_start3A_119 = tpu.memref_slice %arg4[%add3A_112, %dma_start3A_118] : memref<819200x128xf32, #tpu.memory_space<hbm>> -> memref<256x128xf32, #tpu.memory_space<hbm>>
      %dma_start3A_120 = arith.constant 0 : i32
      %dma_start3A_121 = arith.constant 0 : i32
      %dma_start3A_122 = tpu.memref_slice %arg7[%dma_start3A_120, %dma_start3A_121] : memref<768x128xf32, #tpu.memory_space<vmem>> -> memref<256x128xf32, #tpu.memory_space<vmem>>
      tpu.enqueue_dma source(%dma_start3A_122 : memref<256x128xf32, #tpu.memory_space<vmem>>) target(%dma_start3A_119 : memref<256x128xf32, #tpu.memory_space<hbm>>) target_semaphore(%arg12 : memref<!tpu.dma_semaphore, #tpu.memory_space<semaphore_mem>>)
      %scan3A_123 = arith.constant 0 : i32
      %scan3A_124 = arith.constant 0 : i32
      %scan3A_125 = arith.constant 16 : i32
      %scan3A_126 = arith.addi %scan3A_124, %scan3A_125 : i32
      %scan3A_127 = arith.constant 1 : i32
      scf.for %scan3A_568 = %scan3A_124 to %scan3A_126 step %scan3A_127  : i32 {
        %mul3A_569 = arith.constant 16 : i32
        %mul3A_570 = arith.muli %scan3A_568, %mul3A_569 : i32
        %get3A = arith.constant 2 : i32
        %get3A_571 = arith.index_cast %get3A : i32 to index
        %get3A_572 = arith.index_cast %mul3A_570 : i32 to index
        %get3A_573 = tpu.vector_load %arg5[%get3A_571, %get3A_572] {strides = array<i32>} : memref<8x256xf32, #tpu.memory_space<vmem>>, vector<1x16xf32>,
        %get3A_574 = vector.shape_cast %get3A_573 : vector<1x16xf32> to vector<16xf32>
        %convert_element_type3A = arith.fptosi %get3A_574 : vector<16xf32> to vector<16xi32>
        %mul3A_575 = arith.constant 16 : i32
        %mul3A_576 = arith.muli %scan3A_568, %mul3A_575 : i32
        %add3A_577 = arith.constant 512 : i32
        %add3A_578 = arith.addi %add3A_577, %mul3A_576 : i32
        %swap3A = arith.index_cast %add3A_578 : i32 to index
        %swap3A_579 = tpu.vector_load %arg6[%swap3A] {strides = array<i32>} : memref<768xi32, #tpu.memory_space<vmem>>, vector<16xi32>,
        %swap3A_580 = vector.shape_cast %swap3A_579 : vector<16xi32> to vector<16xi32>
        %swap3A_581 = vector.shape_cast %convert_element_type3A : vector<16xi32> to vector<16xi32>
        tpu.vector_store %arg6[%swap3A], %swap3A_581 {strides = array<i32>} : memref<768xi32, #tpu.memory_space<vmem>>, vector<16xi32>,
      }
      %scan3A_128 = arith.constant 16 : i32
      %dma_start3A_129 = arith.constant 512 : i32
      %dma_start3A_130 = arith.constant 0 : i32
      %dma_start3A_131 = tpu.memref_slice %arg7[%dma_start3A_129, %dma_start3A_130] : memref<768x128xf32, #tpu.memory_space<vmem>> -> memref<128x128xf32, #tpu.memory_space<vmem>>
      %dma_start3A_132 = arith.constant 512 : i32
      %dma_start3A_133 = tpu.memref_slice %arg6[%dma_start3A_132] : memref<768xi32, #tpu.memory_space<vmem>> -> memref<128xi32, #tpu.memory_space<vmem>>
      %dma_start3A_134 = arith.constant 0 : i32
      %dma_start3A_135 = arith.constant 0 : i32
      %dma_start3A_136 = tpu.memref_slice %arg2[%dma_start3A_134, %dma_start3A_135] : memref<1000000x128xf32, #tpu.memory_space<hbm>> -> memref<1000000x128xf32, #tpu.memory_space<hbm>>
      tpu.enqueue_indirect_dma source(%dma_start3A_136 : memref<1000000x128xf32, #tpu.memory_space<hbm>>) target(%dma_start3A_131 : memref<128x128xf32, #tpu.memory_space<vmem>>) offsets(%dma_start3A_133 : memref<128xi32, #tpu.memory_space<vmem>>) semaphore(%arg10 : memref<!tpu.dma_semaphore, #tpu.memory_space<semaphore_mem>>)
      %dma_start3A_137 = arith.constant 640 : i32
      %dma_start3A_138 = arith.constant 0 : i32
      %dma_start3A_139 = tpu.memref_slice %arg7[%dma_start3A_137, %dma_start3A_138] : memref<768x128xf32, #tpu.memory_space<vmem>> -> memref<128x128xf32, #tpu.memory_space<vmem>>
      %dma_start3A_140 = arith.constant 640 : i32
      %dma_start3A_141 = tpu.memref_slice %arg6[%dma_start3A_140] : memref<768xi32, #tpu.memory_space<vmem>> -> memref<128xi32, #tpu.memory_space<vmem>>
      %dma_start3A_142 = arith.constant 0 : i32
      %dma_start3A_143 = arith.constant 0 : i32
      %dma_start3A_144 = tpu.memref_slice %arg2[%dma_start3A_142, %dma_start3A_143] : memref<1000000x128xf32, #tpu.memory_space<hbm>> -> memref<1000000x128xf32, #tpu.memory_space<hbm>>
      tpu.enqueue_indirect_dma source(%dma_start3A_144 : memref<1000000x128xf32, #tpu.memory_space<hbm>>) target(%dma_start3A_139 : memref<128x128xf32, #tpu.memory_space<vmem>>) offsets(%dma_start3A_141 : memref<128xi32, #tpu.memory_space<vmem>>) semaphore(%arg10 : memref<!tpu.dma_semaphore, #tpu.memory_space<semaphore_mem>>)
      %dma_wait3A_145 = arith.constant 256 : i32
      %dma_wait3A_146 = arith.constant 0 : i32
      %dma_wait3A_147 = tpu.memref_slice %arg7[%dma_wait3A_145, %dma_wait3A_146] : memref<768x128xf32, #tpu.memory_space<vmem>> -> memref<128x128xf32, #tpu.memory_space<vmem>>
      %dma_wait3A_148 = arith.constant 0 : i32
      %dma_wait3A_149 = tpu.memref_slice %arg6[%dma_wait3A_148] : memref<768xi32, #tpu.memory_space<vmem>> -> memref<128xi32, #tpu.memory_space<vmem>>
      %dma_wait3A_150 = arith.constant 0 : i32
      %dma_wait3A_151 = arith.constant 0 : i32
      %dma_wait3A_152 = tpu.memref_slice %arg2[%dma_wait3A_150, %dma_wait3A_151] : memref<1000000x128xf32, #tpu.memory_space<hbm>> -> memref<1000000x128xf32, #tpu.memory_space<hbm>>
      tpu.wait_indirect_dma semaphore(%arg9 : memref<!tpu.dma_semaphore, #tpu.memory_space<semaphore_mem>>) src(%dma_wait3A_152 : memref<1000000x128xf32, #tpu.memory_space<hbm>>) dst(%dma_wait3A_147 : memref<128x128xf32, #tpu.memory_space<vmem>>)
      %dma_wait3A_153 = arith.constant 384 : i32
      %dma_wait3A_154 = arith.constant 0 : i32
      %dma_wait3A_155 = tpu.memref_slice %arg7[%dma_wait3A_153, %dma_wait3A_154] : memref<768x128xf32, #tpu.memory_space<vmem>> -> memref<128x128xf32, #tpu.memory_space<vmem>>
      %dma_wait3A_156 = arith.constant 0 : i32
      %dma_wait3A_157 = tpu.memref_slice %arg6[%dma_wait3A_156] : memref<768xi32, #tpu.memory_space<vmem>> -> memref<128xi32, #tpu.memory_space<vmem>>
      %dma_wait3A_158 = arith.constant 0 : i32
      %dma_wait3A_159 = arith.constant 0 : i32
      %dma_wait3A_160 = tpu.memref_slice %arg2[%dma_wait3A_158, %dma_wait3A_159] : memref<1000000x128xf32, #tpu.memory_space<hbm>> -> memref<1000000x128xf32, #tpu.memory_space<hbm>>
      tpu.wait_indirect_dma semaphore(%arg9 : memref<!tpu.dma_semaphore, #tpu.memory_space<semaphore_mem>>) src(%dma_wait3A_160 : memref<1000000x128xf32, #tpu.memory_space<hbm>>) dst(%dma_wait3A_155 : memref<128x128xf32, #tpu.memory_space<vmem>>)
      %add3A_161 = arith.constant 1 : i32
      %add3A_162 = arith.addi %mul3A_33, %add3A_161 : i32
      %mul3A_163 = arith.constant 16384 : i32
      %mul3A_164 = arith.muli %add3A_162, %mul3A_163 : i32
      %add3A_165 = arith.addi %mul3A_164, %mul3A_49 : i32
      %dma_start3A_166 = arith.constant 256 : i32
      %dma_start3A_167 = arith.constant 0 : i32
      %dma_start3A_168 = tpu.memref_slice %arg7[%dma_start3A_166, %dma_start3A_167] : memref<768x128xf32, #tpu.memory_space<vmem>> -> memref<256x128xf32, #tpu.memory_space<vmem>>
      %dma_start3A_169 = arith.constant 0 : i32
      %dma_start3A_170 = tpu.memref_slice %arg4[%add3A_165, %dma_start3A_169] : memref<819200x128xf32, #tpu.memory_space<hbm>> -> memref<256x128xf32, #tpu.memory_space<hbm>>
      %dma_start3A_171 = arith.constant 0 : i32
      %dma_start3A_172 = tpu.memref_slice %arg4[%add3A_165, %dma_start3A_171] : memref<819200x128xf32, #tpu.memory_space<hbm>> -> memref<256x128xf32, #tpu.memory_space<hbm>>
      %dma_start3A_173 = arith.constant 256 : i32
      %dma_start3A_174 = arith.constant 0 : i32
      %dma_start3A_175 = tpu.memref_slice %arg7[%dma_start3A_173, %dma_start3A_174] : memref<768x128xf32, #tpu.memory_space<vmem>> -> memref<256x128xf32, #tpu.memory_space<vmem>>
      tpu.enqueue_dma source(%dma_start3A_175 : memref<256x128xf32, #tpu.memory_space<vmem>>) target(%dma_start3A_172 : memref<256x128xf32, #tpu.memory_space<hbm>>) target_semaphore(%arg11 : memref<!tpu.dma_semaphore, #tpu.memory_space<semaphore_mem>>)
      %dma_wait3A_176 = arith.constant 0 : i32
      %dma_wait3A_177 = arith.constant 0 : i32
      %dma_wait3A_178 = tpu.memref_slice %arg7[%dma_wait3A_176, %dma_wait3A_177] : memref<768x128xf32, #tpu.memory_space<vmem>> -> memref<256x128xf32, #tpu.memory_space<vmem>>
      %dma_wait3A_179 = arith.constant 0 : i32
      %dma_wait3A_180 = arith.constant 0 : i32
      %dma_wait3A_181 = tpu.memref_slice %arg4[%dma_wait3A_179, %dma_wait3A_180] : memref<819200x128xf32, #tpu.memory_space<hbm>> -> memref<256x128xf32, #tpu.memory_space<hbm>>
      %dma_wait3A_182 = arith.constant 0 : i32
      %dma_wait3A_183 = arith.constant 0 : i32
      %dma_wait3A_184 = tpu.memref_slice %arg4[%dma_wait3A_182, %dma_wait3A_183] : memref<819200x128xf32, #tpu.memory_space<hbm>> -> memref<256x128xf32, #tpu.memory_space<hbm>>
      %dma_wait3A_185 = arith.constant 0 : i32
      %dma_wait3A_186 = arith.constant 0 : i32
      %dma_wait3A_187 = tpu.memref_slice %arg7[%dma_wait3A_185, %dma_wait3A_186] : memref<768x128xf32, #tpu.memory_space<vmem>> -> memref<256x128xf32, #tpu.memory_space<vmem>>
      tpu.wait_dma2 semaphore(%arg12 : memref<!tpu.dma_semaphore, #tpu.memory_space<semaphore_mem>>) src(%dma_wait3A_187 : memref<256x128xf32, #tpu.memory_space<vmem>>) dst(%dma_wait3A_184 : memref<256x128xf32, #tpu.memory_space<hbm>>)
      %scan3A_188 = arith.constant 0 : i32
      %scan3A_189 = arith.constant 0 : i32
      %scan3A_190 = arith.constant 16 : i32
      %scan3A_191 = arith.addi %scan3A_189, %scan3A_190 : i32
      %scan3A_192 = arith.constant 1 : i32
      scf.for %scan3A_568 = %scan3A_189 to %scan3A_191 step %scan3A_192  : i32 {
        %mul3A_569 = arith.constant 16 : i32
        %mul3A_570 = arith.muli %scan3A_568, %mul3A_569 : i32
        %get3A = arith.constant 3 : i32
        %get3A_571 = arith.index_cast %get3A : i32 to index
        %get3A_572 = arith.index_cast %mul3A_570 : i32 to index
        %get3A_573 = tpu.vector_load %arg5[%get3A_571, %get3A_572] {strides = array<i32>} : memref<8x256xf32, #tpu.memory_space<vmem>>, vector<1x16xf32>,
        %get3A_574 = vector.shape_cast %get3A_573 : vector<1x16xf32> to vector<16xf32>
        %convert_element_type3A = arith.fptosi %get3A_574 : vector<16xf32> to vector<16xi32>
        %mul3A_575 = arith.constant 16 : i32
        %mul3A_576 = arith.muli %scan3A_568, %mul3A_575 : i32
        %add3A_577 = arith.constant 0 : i32
        %add3A_578 = arith.addi %add3A_577, %mul3A_576 : i32
        %swap3A = arith.index_cast %add3A_578 : i32 to index
        %swap3A_579 = tpu.vector_load %arg6[%swap3A] {strides = array<i32>} : memref<768xi32, #tpu.memory_space<vmem>>, vector<16xi32>,
        %swap3A_580 = vector.shape_cast %swap3A_579 : vector<16xi32> to vector<16xi32>
        %swap3A_581 = vector.shape_cast %convert_element_type3A : vector<16xi32> to vector<16xi32>
        tpu.vector_store %arg6[%swap3A], %swap3A_581 {strides = array<i32>} : memref<768xi32, #tpu.memory_space<vmem>>, vector<16xi32>,
      }
      %scan3A_193 = arith.constant 16 : i32
      %dma_start3A_194 = arith.constant 0 : i32
      %dma_start3A_195 = arith.constant 0 : i32
      %dma_start3A_196 = tpu.memref_slice %arg7[%dma_start3A_194, %dma_start3A_195] : memref<768x128xf32, #tpu.memory_space<vmem>> -> memref<128x128xf32, #tpu.memory_space<vmem>>
      %dma_start3A_197 = arith.constant 0 : i32
      %dma_start3A_198 = tpu.memref_slice %arg6[%dma_start3A_197] : memref<768xi32, #tpu.memory_space<vmem>> -> memref<128xi32, #tpu.memory_space<vmem>>
      %dma_start3A_199 = arith.constant 0 : i32
      %dma_start3A_200 = arith.constant 0 : i32
      %dma_start3A_201 = tpu.memref_slice %arg2[%dma_start3A_199, %dma_start3A_200] : memref<1000000x128xf32, #tpu.memory_space<hbm>> -> memref<1000000x128xf32, #tpu.memory_space<hbm>>
      tpu.enqueue_indirect_dma source(%dma_start3A_201 : memref<1000000x128xf32, #tpu.memory_space<hbm>>) target(%dma_start3A_196 : memref<128x128xf32, #tpu.memory_space<vmem>>) offsets(%dma_start3A_198 : memref<128xi32, #tpu.memory_space<vmem>>) semaphore(%arg8 : memref<!tpu.dma_semaphore, #tpu.memory_space<semaphore_mem>>)
      %dma_start3A_202 = arith.constant 128 : i32
      %dma_start3A_203 = arith.constant 0 : i32
      %dma_start3A_204 = tpu.memref_slice %arg7[%dma_start3A_202, %dma_start3A_203] : memref<768x128xf32, #tpu.memory_space<vmem>> -> memref<128x128xf32, #tpu.memory_space<vmem>>
      %dma_start3A_205 = arith.constant 128 : i32
      %dma_start3A_206 = tpu.memref_slice %arg6[%dma_start3A_205] : memref<768xi32, #tpu.memory_space<vmem>> -> memref<128xi32, #tpu.memory_space<vmem>>
      %dma_start3A_207 = arith.constant 0 : i32
      %dma_start3A_208 = arith.constant 0 : i32
      %dma_start3A_209 = tpu.memref_slice %arg2[%dma_start3A_207, %dma_start3A_208] : memref<1000000x128xf32, #tpu.memory_space<hbm>> -> memref<1000000x128xf32, #tpu.memory_space<hbm>>
      tpu.enqueue_indirect_dma source(%dma_start3A_209 : memref<1000000x128xf32, #tpu.memory_space<hbm>>) target(%dma_start3A_204 : memref<128x128xf32, #tpu.memory_space<vmem>>) offsets(%dma_start3A_206 : memref<128xi32, #tpu.memory_space<vmem>>) semaphore(%arg8 : memref<!tpu.dma_semaphore, #tpu.memory_space<semaphore_mem>>)
      %dma_wait3A_210 = arith.constant 512 : i32
      %dma_wait3A_211 = arith.constant 0 : i32
      %dma_wait3A_212 = tpu.memref_slice %arg7[%dma_wait3A_210, %dma_wait3A_211] : memref<768x128xf32, #tpu.memory_space<vmem>> -> memref<128x128xf32, #tpu.memory_space<vmem>>
      %dma_wait3A_213 = arith.constant 0 : i32
      %dma_wait3A_214 = tpu.memref_slice %arg6[%dma_wait3A_213] : memref<768xi32, #tpu.memory_space<vmem>> -> memref<128xi32, #tpu.memory_space<vmem>>
      %dma_wait3A_215 = arith.constant 0 : i32
      %dma_wait3A_216 = arith.constant 0 : i32
      %dma_wait3A_217 = tpu.memref_slice %arg2[%dma_wait3A_215, %dma_wait3A_216] : memref<1000000x128xf32, #tpu.memory_space<hbm>> -> memref<1000000x128xf32, #tpu.memory_space<hbm>>
      tpu.wait_indirect_dma semaphore(%arg10 : memref<!tpu.dma_semaphore, #tpu.memory_space<semaphore_mem>>) src(%dma_wait3A_217 : memref<1000000x128xf32, #tpu.memory_space<hbm>>) dst(%dma_wait3A_212 : memref<128x128xf32, #tpu.memory_space<vmem>>)
      %dma_wait3A_218 = arith.constant 640 : i32
      %dma_wait3A_219 = arith.constant 0 : i32
      %dma_wait3A_220 = tpu.memref_slice %arg7[%dma_wait3A_218, %dma_wait3A_219] : memref<768x128xf32, #tpu.memory_space<vmem>> -> memref<128x128xf32, #tpu.memory_space<vmem>>
      %dma_wait3A_221 = arith.constant 0 : i32
      %dma_wait3A_222 = tpu.memref_slice %arg6[%dma_wait3A_221] : memref<768xi32, #tpu.memory_space<vmem>> -> memref<128xi32, #tpu.memory_space<vmem>>
      %dma_wait3A_223 = arith.constant 0 : i32
      %dma_wait3A_224 = arith.constant 0 : i32
      %dma_wait3A_225 = tpu.memref_slice %arg2[%dma_wait3A_223, %dma_wait3A_224] : memref<1000000x128xf32, #tpu.memory_space<hbm>> -> memref<1000000x128xf32, #tpu.memory_space<hbm>>
      tpu.wait_indirect_dma semaphore(%arg10 : memref<!tpu.dma_semaphore, #tpu.memory_space<semaphore_mem>>) src(%dma_wait3A_225 : memref<1000000x128xf32, #tpu.memory_space<hbm>>) dst(%dma_wait3A_220 : memref<128x128xf32, #tpu.memory_space<vmem>>)
      %add3A_226 = arith.constant 2 : i32
      %add3A_227 = arith.addi %mul3A_33, %add3A_226 : i32
      %mul3A_228 = arith.constant 16384 : i32
      %mul3A_229 = arith.muli %add3A_227, %mul3A_228 : i32
      %add3A_230 = arith.addi %mul3A_229, %mul3A_49 : i32
      %dma_start3A_231 = arith.constant 512 : i32
      %dma_start3A_232 = arith.constant 0 : i32
      %dma_start3A_233 = tpu.memref_slice %arg7[%dma_start3A_231, %dma_start3A_232] : memref<768x128xf32, #tpu.memory_space<vmem>> -> memref<256x128xf32, #tpu.memory_space<vmem>>
      %dma_start3A_234 = arith.constant 0 : i32
      %dma_start3A_235 = tpu.memref_slice %arg4[%add3A_230, %dma_start3A_234] : memref<819200x128xf32, #tpu.memory_space<hbm>> -> memref<256x128xf32, #tpu.memory_space<hbm>>
      %dma_start3A_236 = arith.constant 0 : i32
      %dma_start3A_237 = tpu.memref_slice %arg4[%add3A_230, %dma_start3A_236] : memref<819200x128xf32, #tpu.memory_space<hbm>> -> memref<256x128xf32, #tpu.memory_space<hbm>>
      %dma_start3A_238 = arith.constant 512 : i32
      %dma_start3A_239 = arith.constant 0 : i32
      %dma_start3A_240 = tpu.memref_slice %arg7[%dma_start3A_238, %dma_start3A_239] : memref<768x128xf32, #tpu.memory_space<vmem>> -> memref<256x128xf32, #tpu.memory_space<vmem>>
      tpu.enqueue_dma source(%dma_start3A_240 : memref<256x128xf32, #tpu.memory_space<vmem>>) target(%dma_start3A_237 : memref<256x128xf32, #tpu.memory_space<hbm>>) target_semaphore(%arg12 : memref<!tpu.dma_semaphore, #tpu.memory_space<semaphore_mem>>)
      %dma_wait3A_241 = arith.constant 0 : i32
      %dma_wait3A_242 = arith.constant 0 : i32
      %dma_wait3A_243 = tpu.memref_slice %arg7[%dma_wait3A_241, %dma_wait3A_242] : memref<768x128xf32, #tpu.memory_space<vmem>> -> memref<256x128xf32, #tpu.memory_space<vmem>>
      %dma_wait3A_244 = arith.constant 0 : i32
      %dma_wait3A_245 = arith.constant 0 : i32
      %dma_wait3A_246 = tpu.memref_slice %arg4[%dma_wait3A_244, %dma_wait3A_245] : memref<819200x128xf32, #tpu.memory_space<hbm>> -> memref<256x128xf32, #tpu.memory_space<hbm>>
      %dma_wait3A_247 = arith.constant 0 : i32
      %dma_wait3A_248 = arith.constant 0 : i32
      %dma_wait3A_249 = tpu.memref_slice %arg4[%dma_wait3A_247, %dma_wait3A_248] : memref<819200x128xf32, #tpu.memory_space<hbm>> -> memref<256x128xf32, #tpu.memory_space<hbm>>
      %dma_wait3A_250 = arith.constant 0 : i32
      %dma_wait3A_251 = arith.constant 0 : i32
      %dma_wait3A_252 = tpu.memref_slice %arg7[%dma_wait3A_250, %dma_wait3A_251] : memref<768x128xf32, #tpu.memory_space<vmem>> -> memref<256x128xf32, #tpu.memory_space<vmem>>
      tpu.wait_dma2 semaphore(%arg11 : memref<!tpu.dma_semaphore, #tpu.memory_space<semaphore_mem>>) src(%dma_wait3A_252 : memref<256x128xf32, #tpu.memory_space<vmem>>) dst(%dma_wait3A_249 : memref<256x128xf32, #tpu.memory_space<hbm>>)
      %scan3A_253 = arith.constant 0 : i32
      %scan3A_254 = arith.constant 0 : i32
      %scan3A_255 = arith.constant 16 : i32
      %scan3A_256 = arith.addi %scan3A_254, %scan3A_255 : i32
      %scan3A_257 = arith.constant 1 : i32
      scf.for %scan3A_568 = %scan3A_254 to %scan3A_256 step %scan3A_257  : i32 {
        %mul3A_569 = arith.constant 16 : i32
        %mul3A_570 = arith.muli %scan3A_568, %mul3A_569 : i32
        %get3A = arith.constant 4 : i32
        %get3A_571 = arith.index_cast %get3A : i32 to index
        %get3A_572 = arith.index_cast %mul3A_570 : i32 to index
        %get3A_573 = tpu.vector_load %arg5[%get3A_571, %get3A_572] {strides = array<i32>} : memref<8x256xf32, #tpu.memory_space<vmem>>, vector<1x16xf32>,
        %get3A_574 = vector.shape_cast %get3A_573 : vector<1x16xf32> to vector<16xf32>
        %convert_element_type3A = arith.fptosi %get3A_574 : vector<16xf32> to vector<16xi32>
        %mul3A_575 = arith.constant 16 : i32
        %mul3A_576 = arith.muli %scan3A_568, %mul3A_575 : i32
        %add3A_577 = arith.constant 256 : i32
        %add3A_578 = arith.addi %add3A_577, %mul3A_576 : i32
        %swap3A = arith.index_cast %add3A_578 : i32 to index
        %swap3A_579 = tpu.vector_load %arg6[%swap3A] {strides = array<i32>} : memref<768xi32, #tpu.memory_space<vmem>>, vector<16xi32>,
        %swap3A_580 = vector.shape_cast %swap3A_579 : vector<16xi32> to vector<16xi32>
        %swap3A_581 = vector.shape_cast %convert_element_type3A : vector<16xi32> to vector<16xi32>
        tpu.vector_store %arg6[%swap3A], %swap3A_581 {strides = array<i32>} : memref<768xi32, #tpu.memory_space<vmem>>, vector<16xi32>,
      }
      %scan3A_258 = arith.constant 16 : i32
      %dma_start3A_259 = arith.constant 256 : i32
      %dma_start3A_260 = arith.constant 0 : i32
      %dma_start3A_261 = tpu.memref_slice %arg7[%dma_start3A_259, %dma_start3A_260] : memref<768x128xf32, #tpu.memory_space<vmem>> -> memref<128x128xf32, #tpu.memory_space<vmem>>
      %dma_start3A_262 = arith.constant 256 : i32
      %dma_start3A_263 = tpu.memref_slice %arg6[%dma_start3A_262] : memref<768xi32, #tpu.memory_space<vmem>> -> memref<128xi32, #tpu.memory_space<vmem>>
      %dma_start3A_264 = arith.constant 0 : i32
      %dma_start3A_265 = arith.constant 0 : i32
      %dma_start3A_266 = tpu.memref_slice %arg2[%dma_start3A_264, %dma_start3A_265] : memref<1000000x128xf32, #tpu.memory_space<hbm>> -> memref<1000000x128xf32, #tpu.memory_space<hbm>>
      tpu.enqueue_indirect_dma source(%dma_start3A_266 : memref<1000000x128xf32, #tpu.memory_space<hbm>>) target(%dma_start3A_261 : memref<128x128xf32, #tpu.memory_space<vmem>>) offsets(%dma_start3A_263 : memref<128xi32, #tpu.memory_space<vmem>>) semaphore(%arg9 : memref<!tpu.dma_semaphore, #tpu.memory_space<semaphore_mem>>)
      %dma_start3A_267 = arith.constant 384 : i32
      %dma_start3A_268 = arith.constant 0 : i32
      %dma_start3A_269 = tpu.memref_slice %arg7[%dma_start3A_267, %dma_start3A_268] : memref<768x128xf32, #tpu.memory_space<vmem>> -> memref<128x128xf32, #tpu.memory_space<vmem>>
      %dma_start3A_270 = arith.constant 384 : i32
      %dma_start3A_271 = tpu.memref_slice %arg6[%dma_start3A_270] : memref<768xi32, #tpu.memory_space<vmem>> -> memref<128xi32, #tpu.memory_space<vmem>>
      %dma_start3A_272 = arith.constant 0 : i32
      %dma_start3A_273 = arith.constant 0 : i32
      %dma_start3A_274 = tpu.memref_slice %arg2[%dma_start3A_272, %dma_start3A_273] : memref<1000000x128xf32, #tpu.memory_space<hbm>> -> memref<1000000x128xf32, #tpu.memory_space<hbm>>
      tpu.enqueue_indirect_dma source(%dma_start3A_274 : memref<1000000x128xf32, #tpu.memory_space<hbm>>) target(%dma_start3A_269 : memref<128x128xf32, #tpu.memory_space<vmem>>) offsets(%dma_start3A_271 : memref<128xi32, #tpu.memory_space<vmem>>) semaphore(%arg9 : memref<!tpu.dma_semaphore, #tpu.memory_space<semaphore_mem>>)
      %dma_wait3A_275 = arith.constant 0 : i32
      %dma_wait3A_276 = arith.constant 0 : i32
      %dma_wait3A_277 = tpu.memref_slice %arg7[%dma_wait3A_275, %dma_wait3A_276] : memref<768x128xf32, #tpu.memory_space<vmem>> -> memref<128x128xf32, #tpu.memory_space<vmem>>
      %dma_wait3A_278 = arith.constant 0 : i32
      %dma_wait3A_279 = tpu.memref_slice %arg6[%dma_wait3A_278] : memref<768xi32, #tpu.memory_space<vmem>> -> memref<128xi32, #tpu.memory_space<vmem>>
      %dma_wait3A_280 = arith.constant 0 : i32
      %dma_wait3A_281 = arith.constant 0 : i32
      %dma_wait3A_282 = tpu.memref_slice %arg2[%dma_wait3A_280, %dma_wait3A_281] : memref<1000000x128xf32, #tpu.memory_space<hbm>> -> memref<1000000x128xf32, #tpu.memory_space<hbm>>
      tpu.wait_indirect_dma semaphore(%arg8 : memref<!tpu.dma_semaphore, #tpu.memory_space<semaphore_mem>>) src(%dma_wait3A_282 : memref<1000000x128xf32, #tpu.memory_space<hbm>>) dst(%dma_wait3A_277 : memref<128x128xf32, #tpu.memory_space<vmem>>)
      %dma_wait3A_283 = arith.constant 128 : i32
      %dma_wait3A_284 = arith.constant 0 : i32
      %dma_wait3A_285 = tpu.memref_slice %arg7[%dma_wait3A_283, %dma_wait3A_284] : memref<768x128xf32, #tpu.memory_space<vmem>> -> memref<128x128xf32, #tpu.memory_space<vmem>>
      %dma_wait3A_286 = arith.constant 0 : i32
      %dma_wait3A_287 = tpu.memref_slice %arg6[%dma_wait3A_286] : memref<768xi32, #tpu.memory_space<vmem>> -> memref<128xi32, #tpu.memory_space<vmem>>
      %dma_wait3A_288 = arith.constant 0 : i32
      %dma_wait3A_289 = arith.constant 0 : i32
      %dma_wait3A_290 = tpu.memref_slice %arg2[%dma_wait3A_288, %dma_wait3A_289] : memref<1000000x128xf32, #tpu.memory_space<hbm>> -> memref<1000000x128xf32, #tpu.memory_space<hbm>>
      tpu.wait_indirect_dma semaphore(%arg8 : memref<!tpu.dma_semaphore, #tpu.memory_space<semaphore_mem>>) src(%dma_wait3A_290 : memref<1000000x128xf32, #tpu.memory_space<hbm>>) dst(%dma_wait3A_285 : memref<128x128xf32, #tpu.memory_space<vmem>>)
      %add3A_291 = arith.constant 3 : i32
      %add3A_292 = arith.addi %mul3A_33, %add3A_291 : i32
      %mul3A_293 = arith.constant 16384 : i32
      %mul3A_294 = arith.muli %add3A_292, %mul3A_293 : i32
      %add3A_295 = arith.addi %mul3A_294, %mul3A_49 : i32
      %dma_start3A_296 = arith.constant 0 : i32
      %dma_start3A_297 = arith.constant 0 : i32
      %dma_start3A_298 = tpu.memref_slice %arg7[%dma_start3A_296, %dma_start3A_297] : memref<768x128xf32, #tpu.memory_space<vmem>> -> memref<256x128xf32, #tpu.memory_space<vmem>>
      %dma_start3A_299 = arith.constant 0 : i32
      %dma_start3A_300 = tpu.memref_slice %arg4[%add3A_295, %dma_start3A_299] : memref<819200x128xf32, #tpu.memory_space<hbm>> -> memref<256x128xf32, #tpu.memory_space<hbm>>
      %dma_start3A_301 = arith.constant 0 : i32
      %dma_start3A_302 = tpu.memref_slice %arg4[%add3A_295, %dma_start3A_301] : memref<819200x128xf32, #tpu.memory_space<hbm>> -> memref<256x128xf32, #tpu.memory_space<hbm>>
      %dma_start3A_303 = arith.constant 0 : i32
      %dma_start3A_304 = arith.constant 0 : i32
      %dma_start3A_305 = tpu.memref_slice %arg7[%dma_start3A_303, %dma_start3A_304] : memref<768x128xf32, #tpu.memory_space<vmem>> -> memref<256x128xf32, #tpu.memory_space<vmem>>
      tpu.enqueue_dma source(%dma_start3A_305 : memref<256x128xf32, #tpu.memory_space<vmem>>) target(%dma_start3A_302 : memref<256x128xf32, #tpu.memory_space<hbm>>) target_semaphore(%arg11 : memref<!tpu.dma_semaphore, #tpu.memory_space<semaphore_mem>>)
      %dma_wait3A_306 = arith.constant 0 : i32
      %dma_wait3A_307 = arith.constant 0 : i32
      %dma_wait3A_308 = tpu.memref_slice %arg7[%dma_wait3A_306, %dma_wait3A_307] : memref<768x128xf32, #tpu.memory_space<vmem>> -> memref<256x128xf32, #tpu.memory_space<vmem>>
      %dma_wait3A_309 = arith.constant 0 : i32
      %dma_wait3A_310 = arith.constant 0 : i32
      %dma_wait3A_311 = tpu.memref_slice %arg4[%dma_wait3A_309, %dma_wait3A_310] : memref<819200x128xf32, #tpu.memory_space<hbm>> -> memref<256x128xf32, #tpu.memory_space<hbm>>
      %dma_wait3A_312 = arith.constant 0 : i32
      %dma_wait3A_313 = arith.constant 0 : i32
      %dma_wait3A_314 = tpu.memref_slice %arg4[%dma_wait3A_312, %dma_wait3A_313] : memref<819200x128xf32, #tpu.memory_space<hbm>> -> memref<256x128xf32, #tpu.memory_space<hbm>>
      %dma_wait3A_315 = arith.constant 0 : i32
      %dma_wait3A_316 = arith.constant 0 : i32
      %dma_wait3A_317 = tpu.memref_slice %arg7[%dma_wait3A_315, %dma_wait3A_316] : memref<768x128xf32, #tpu.memory_space<vmem>> -> memref<256x128xf32, #tpu.memory_space<vmem>>
      tpu.wait_dma2 semaphore(%arg12 : memref<!tpu.dma_semaphore, #tpu.memory_space<semaphore_mem>>) src(%dma_wait3A_317 : memref<256x128xf32, #tpu.memory_space<vmem>>) dst(%dma_wait3A_314 : memref<256x128xf32, #tpu.memory_space<hbm>>)
      %scan3A_318 = arith.constant 0 : i32
      %scan3A_319 = arith.constant 0 : i32
      %scan3A_320 = arith.constant 16 : i32
      %scan3A_321 = arith.addi %scan3A_319, %scan3A_320 : i32
      %scan3A_322 = arith.constant 1 : i32
      scf.for %scan3A_568 = %scan3A_319 to %scan3A_321 step %scan3A_322  : i32 {
        %mul3A_569 = arith.constant 16 : i32
        %mul3A_570 = arith.muli %scan3A_568, %mul3A_569 : i32
        %get3A = arith.constant 5 : i32
        %get3A_571 = arith.index_cast %get3A : i32 to index
        %get3A_572 = arith.index_cast %mul3A_570 : i32 to index
        %get3A_573 = tpu.vector_load %arg5[%get3A_571, %get3A_572] {strides = array<i32>} : memref<8x256xf32, #tpu.memory_space<vmem>>, vector<1x16xf32>,
        %get3A_574 = vector.shape_cast %get3A_573 : vector<1x16xf32> to vector<16xf32>
        %convert_element_type3A = arith.fptosi %get3A_574 : vector<16xf32> to vector<16xi32>
        %mul3A_575 = arith.constant 16 : i32
        %mul3A_576 = arith.muli %scan3A_568, %mul3A_575 : i32
        %add3A_577 = arith.constant 512 : i32
        %add3A_578 = arith.addi %add3A_577, %mul3A_576 : i32
        %swap3A = arith.index_cast %add3A_578 : i32 to index
        %swap3A_579 = tpu.vector_load %arg6[%swap3A] {strides = array<i32>} : memref<768xi32, #tpu.memory_space<vmem>>, vector<16xi32>,
        %swap3A_580 = vector.shape_cast %swap3A_579 : vector<16xi32> to vector<16xi32>
        %swap3A_581 = vector.shape_cast %convert_element_type3A : vector<16xi32> to vector<16xi32>
        tpu.vector_store %arg6[%swap3A], %swap3A_581 {strides = array<i32>} : memref<768xi32, #tpu.memory_space<vmem>>, vector<16xi32>,
      }
      %scan3A_323 = arith.constant 16 : i32
      %dma_start3A_324 = arith.constant 512 : i32
      %dma_start3A_325 = arith.constant 0 : i32
      %dma_start3A_326 = tpu.memref_slice %arg7[%dma_start3A_324, %dma_start3A_325] : memref<768x128xf32, #tpu.memory_space<vmem>> -> memref<128x128xf32, #tpu.memory_space<vmem>>
      %dma_start3A_327 = arith.constant 512 : i32
      %dma_start3A_328 = tpu.memref_slice %arg6[%dma_start3A_327] : memref<768xi32, #tpu.memory_space<vmem>> -> memref<128xi32, #tpu.memory_space<vmem>>
      %dma_start3A_329 = arith.constant 0 : i32
      %dma_start3A_330 = arith.constant 0 : i32
      %dma_start3A_331 = tpu.memref_slice %arg2[%dma_start3A_329, %dma_start3A_330] : memref<1000000x128xf32, #tpu.memory_space<hbm>> -> memref<1000000x128xf32, #tpu.memory_space<hbm>>
      tpu.enqueue_indirect_dma source(%dma_start3A_331 : memref<1000000x128xf32, #tpu.memory_space<hbm>>) target(%dma_start3A_326 : memref<128x128xf32, #tpu.memory_space<vmem>>) offsets(%dma_start3A_328 : memref<128xi32, #tpu.memory_space<vmem>>) semaphore(%arg10 : memref<!tpu.dma_semaphore, #tpu.memory_space<semaphore_mem>>)
      %dma_start3A_332 = arith.constant 640 : i32
      %dma_start3A_333 = arith.constant 0 : i32
      %dma_start3A_334 = tpu.memref_slice %arg7[%dma_start3A_332, %dma_start3A_333] : memref<768x128xf32, #tpu.memory_space<vmem>> -> memref<128x128xf32, #tpu.memory_space<vmem>>
      %dma_start3A_335 = arith.constant 640 : i32
      %dma_start3A_336 = tpu.memref_slice %arg6[%dma_start3A_335] : memref<768xi32, #tpu.memory_space<vmem>> -> memref<128xi32, #tpu.memory_space<vmem>>
      %dma_start3A_337 = arith.constant 0 : i32
      %dma_start3A_338 = arith.constant 0 : i32
      %dma_start3A_339 = tpu.memref_slice %arg2[%dma_start3A_337, %dma_start3A_338] : memref<1000000x128xf32, #tpu.memory_space<hbm>> -> memref<1000000x128xf32, #tpu.memory_space<hbm>>
      tpu.enqueue_indirect_dma source(%dma_start3A_339 : memref<1000000x128xf32, #tpu.memory_space<hbm>>) target(%dma_start3A_334 : memref<128x128xf32, #tpu.memory_space<vmem>>) offsets(%dma_start3A_336 : memref<128xi32, #tpu.memory_space<vmem>>) semaphore(%arg10 : memref<!tpu.dma_semaphore, #tpu.memory_space<semaphore_mem>>)
      %dma_wait3A_340 = arith.constant 256 : i32
      %dma_wait3A_341 = arith.constant 0 : i32
      %dma_wait3A_342 = tpu.memref_slice %arg7[%dma_wait3A_340, %dma_wait3A_341] : memref<768x128xf32, #tpu.memory_space<vmem>> -> memref<128x128xf32, #tpu.memory_space<vmem>>
      %dma_wait3A_343 = arith.constant 0 : i32
      %dma_wait3A_344 = tpu.memref_slice %arg6[%dma_wait3A_343] : memref<768xi32, #tpu.memory_space<vmem>> -> memref<128xi32, #tpu.memory_space<vmem>>
      %dma_wait3A_345 = arith.constant 0 : i32
      %dma_wait3A_346 = arith.constant 0 : i32
      %dma_wait3A_347 = tpu.memref_slice %arg2[%dma_wait3A_345, %dma_wait3A_346] : memref<1000000x128xf32, #tpu.memory_space<hbm>> -> memref<1000000x128xf32, #tpu.memory_space<hbm>>
      tpu.wait_indirect_dma semaphore(%arg9 : memref<!tpu.dma_semaphore, #tpu.memory_space<semaphore_mem>>) src(%dma_wait3A_347 : memref<1000000x128xf32, #tpu.memory_space<hbm>>) dst(%dma_wait3A_342 : memref<128x128xf32, #tpu.memory_space<vmem>>)
      %dma_wait3A_348 = arith.constant 384 : i32
      %dma_wait3A_349 = arith.constant 0 : i32
      %dma_wait3A_350 = tpu.memref_slice %arg7[%dma_wait3A_348, %dma_wait3A_349] : memref<768x128xf32, #tpu.memory_space<vmem>> -> memref<128x128xf32, #tpu.memory_space<vmem>>
      %dma_wait3A_351 = arith.constant 0 : i32
      %dma_wait3A_352 = tpu.memref_slice %arg6[%dma_wait3A_351] : memref<768xi32, #tpu.memory_space<vmem>> -> memref<128xi32, #tpu.memory_space<vmem>>
      %dma_wait3A_353 = arith.constant 0 : i32
      %dma_wait3A_354 = arith.constant 0 : i32
      %dma_wait3A_355 = tpu.memref_slice %arg2[%dma_wait3A_353, %dma_wait3A_354] : memref<1000000x128xf32, #tpu.memory_space<hbm>> -> memref<1000000x128xf32, #tpu.memory_space<hbm>>
      tpu.wait_indirect_dma semaphore(%arg9 : memref<!tpu.dma_semaphore, #tpu.memory_space<semaphore_mem>>) src(%dma_wait3A_355 : memref<1000000x128xf32, #tpu.memory_space<hbm>>) dst(%dma_wait3A_350 : memref<128x128xf32, #tpu.memory_space<vmem>>)
      %add3A_356 = arith.constant 4 : i32
      %add3A_357 = arith.addi %mul3A_33, %add3A_356 : i32
      %mul3A_358 = arith.constant 16384 : i32
      %mul3A_359 = arith.muli %add3A_357, %mul3A_358 : i32
      %add3A_360 = arith.addi %mul3A_359, %mul3A_49 : i32
      %dma_start3A_361 = arith.constant 256 : i32
      %dma_start3A_362 = arith.constant 0 : i32
      %dma_start3A_363 = tpu.memref_slice %arg7[%dma_start3A_361, %dma_start3A_362] : memref<768x128xf32, #tpu.memory_space<vmem>> -> memref<256x128xf32, #tpu.memory_space<vmem>>
      %dma_start3A_364 = arith.constant 0 : i32
      %dma_start3A_365 = tpu.memref_slice %arg4[%add3A_360, %dma_start3A_364] : memref<819200x128xf32, #tpu.memory_space<hbm>> -> memref<256x128xf32, #tpu.memory_space<hbm>>
      %dma_start3A_366 = arith.constant 0 : i32
      %dma_start3A_367 = tpu.memref_slice %arg4[%add3A_360, %dma_start3A_366] : memref<819200x128xf32, #tpu.memory_space<hbm>> -> memref<256x128xf32, #tpu.memory_space<hbm>>
      %dma_start3A_368 = arith.constant 256 : i32
      %dma_start3A_369 = arith.constant 0 : i32
      %dma_start3A_370 = tpu.memref_slice %arg7[%dma_start3A_368, %dma_start3A_369] : memref<768x128xf32, #tpu.memory_space<vmem>> -> memref<256x128xf32, #tpu.memory_space<vmem>>
      tpu.enqueue_dma source(%dma_start3A_370 : memref<256x128xf32, #tpu.memory_space<vmem>>) target(%dma_start3A_367 : memref<256x128xf32, #tpu.memory_space<hbm>>) target_semaphore(%arg12 : memref<!tpu.dma_semaphore, #tpu.memory_space<semaphore_mem>>)
      %dma_wait3A_371 = arith.constant 0 : i32
      %dma_wait3A_372 = arith.constant 0 : i32
      %dma_wait3A_373 = tpu.memref_slice %arg7[%dma_wait3A_371, %dma_wait3A_372] : memref<768x128xf32, #tpu.memory_space<vmem>> -> memref<256x128xf32, #tpu.memory_space<vmem>>
      %dma_wait3A_374 = arith.constant 0 : i32
      %dma_wait3A_375 = arith.constant 0 : i32
      %dma_wait3A_376 = tpu.memref_slice %arg4[%dma_wait3A_374, %dma_wait3A_375] : memref<819200x128xf32, #tpu.memory_space<hbm>> -> memref<256x128xf32, #tpu.memory_space<hbm>>
      %dma_wait3A_377 = arith.constant 0 : i32
      %dma_wait3A_378 = arith.constant 0 : i32
      %dma_wait3A_379 = tpu.memref_slice %arg4[%dma_wait3A_377, %dma_wait3A_378] : memref<819200x128xf32, #tpu.memory_space<hbm>> -> memref<256x128xf32, #tpu.memory_space<hbm>>
      %dma_wait3A_380 = arith.constant 0 : i32
      %dma_wait3A_381 = arith.constant 0 : i32
      %dma_wait3A_382 = tpu.memref_slice %arg7[%dma_wait3A_380, %dma_wait3A_381] : memref<768x128xf32, #tpu.memory_space<vmem>> -> memref<256x128xf32, #tpu.memory_space<vmem>>
      tpu.wait_dma2 semaphore(%arg11 : memref<!tpu.dma_semaphore, #tpu.memory_space<semaphore_mem>>) src(%dma_wait3A_382 : memref<256x128xf32, #tpu.memory_space<vmem>>) dst(%dma_wait3A_379 : memref<256x128xf32, #tpu.memory_space<hbm>>)
      %scan3A_383 = arith.constant 0 : i32
      %scan3A_384 = arith.constant 0 : i32
      %scan3A_385 = arith.constant 16 : i32
      %scan3A_386 = arith.addi %scan3A_384, %scan3A_385 : i32
      %scan3A_387 = arith.constant 1 : i32
      scf.for %scan3A_568 = %scan3A_384 to %scan3A_386 step %scan3A_387  : i32 {
        %mul3A_569 = arith.constant 16 : i32
        %mul3A_570 = arith.muli %scan3A_568, %mul3A_569 : i32
        %get3A = arith.constant 6 : i32
        %get3A_571 = arith.index_cast %get3A : i32 to index
        %get3A_572 = arith.index_cast %mul3A_570 : i32 to index
        %get3A_573 = tpu.vector_load %arg5[%get3A_571, %get3A_572] {strides = array<i32>} : memref<8x256xf32, #tpu.memory_space<vmem>>, vector<1x16xf32>,
        %get3A_574 = vector.shape_cast %get3A_573 : vector<1x16xf32> to vector<16xf32>
        %convert_element_type3A = arith.fptosi %get3A_574 : vector<16xf32> to vector<16xi32>
        %mul3A_575 = arith.constant 16 : i32
        %mul3A_576 = arith.muli %scan3A_568, %mul3A_575 : i32
        %add3A_577 = arith.constant 0 : i32
        %add3A_578 = arith.addi %add3A_577, %mul3A_576 : i32
        %swap3A = arith.index_cast %add3A_578 : i32 to index
        %swap3A_579 = tpu.vector_load %arg6[%swap3A] {strides = array<i32>} : memref<768xi32, #tpu.memory_space<vmem>>, vector<16xi32>,
        %swap3A_580 = vector.shape_cast %swap3A_579 : vector<16xi32> to vector<16xi32>
        %swap3A_581 = vector.shape_cast %convert_element_type3A : vector<16xi32> to vector<16xi32>
        tpu.vector_store %arg6[%swap3A], %swap3A_581 {strides = array<i32>} : memref<768xi32, #tpu.memory_space<vmem>>, vector<16xi32>,
      }
      %scan3A_388 = arith.constant 16 : i32
      %dma_start3A_389 = arith.constant 0 : i32
      %dma_start3A_390 = arith.constant 0 : i32
      %dma_start3A_391 = tpu.memref_slice %arg7[%dma_start3A_389, %dma_start3A_390] : memref<768x128xf32, #tpu.memory_space<vmem>> -> memref<128x128xf32, #tpu.memory_space<vmem>>
      %dma_start3A_392 = arith.constant 0 : i32
      %dma_start3A_393 = tpu.memref_slice %arg6[%dma_start3A_392] : memref<768xi32, #tpu.memory_space<vmem>> -> memref<128xi32, #tpu.memory_space<vmem>>
      %dma_start3A_394 = arith.constant 0 : i32
      %dma_start3A_395 = arith.constant 0 : i32
      %dma_start3A_396 = tpu.memref_slice %arg2[%dma_start3A_394, %dma_start3A_395] : memref<1000000x128xf32, #tpu.memory_space<hbm>> -> memref<1000000x128xf32, #tpu.memory_space<hbm>>
      tpu.enqueue_indirect_dma source(%dma_start3A_396 : memref<1000000x128xf32, #tpu.memory_space<hbm>>) target(%dma_start3A_391 : memref<128x128xf32, #tpu.memory_space<vmem>>) offsets(%dma_start3A_393 : memref<128xi32, #tpu.memory_space<vmem>>) semaphore(%arg8 : memref<!tpu.dma_semaphore, #tpu.memory_space<semaphore_mem>>)
      %dma_start3A_397 = arith.constant 128 : i32
      %dma_start3A_398 = arith.constant 0 : i32
      %dma_start3A_399 = tpu.memref_slice %arg7[%dma_start3A_397, %dma_start3A_398] : memref<768x128xf32, #tpu.memory_space<vmem>> -> memref<128x128xf32, #tpu.memory_space<vmem>>
      %dma_start3A_400 = arith.constant 128 : i32
      %dma_start3A_401 = tpu.memref_slice %arg6[%dma_start3A_400] : memref<768xi32, #tpu.memory_space<vmem>> -> memref<128xi32, #tpu.memory_space<vmem>>
      %dma_start3A_402 = arith.constant 0 : i32
      %dma_start3A_403 = arith.constant 0 : i32
      %dma_start3A_404 = tpu.memref_slice %arg2[%dma_start3A_402, %dma_start3A_403] : memref<1000000x128xf32, #tpu.memory_space<hbm>> -> memref<1000000x128xf32, #tpu.memory_space<hbm>>
      tpu.enqueue_indirect_dma source(%dma_start3A_404 : memref<1000000x128xf32, #tpu.memory_space<hbm>>) target(%dma_start3A_399 : memref<128x128xf32, #tpu.memory_space<vmem>>) offsets(%dma_start3A_401 : memref<128xi32, #tpu.memory_space<vmem>>) semaphore(%arg8 : memref<!tpu.dma_semaphore, #tpu.memory_space<semaphore_mem>>)
      %dma_wait3A_405 = arith.constant 512 : i32
      %dma_wait3A_406 = arith.constant 0 : i32
      %dma_wait3A_407 = tpu.memref_slice %arg7[%dma_wait3A_405, %dma_wait3A_406] : memref<768x128xf32, #tpu.memory_space<vmem>> -> memref<128x128xf32, #tpu.memory_space<vmem>>
      %dma_wait3A_408 = arith.constant 0 : i32
      %dma_wait3A_409 = tpu.memref_slice %arg6[%dma_wait3A_408] : memref<768xi32, #tpu.memory_space<vmem>> -> memref<128xi32, #tpu.memory_space<vmem>>
      %dma_wait3A_410 = arith.constant 0 : i32
      %dma_wait3A_411 = arith.constant 0 : i32
      %dma_wait3A_412 = tpu.memref_slice %arg2[%dma_wait3A_410, %dma_wait3A_411] : memref<1000000x128xf32, #tpu.memory_space<hbm>> -> memref<1000000x128xf32, #tpu.memory_space<hbm>>
      tpu.wait_indirect_dma semaphore(%arg10 : memref<!tpu.dma_semaphore, #tpu.memory_space<semaphore_mem>>) src(%dma_wait3A_412 : memref<1000000x128xf32, #tpu.memory_space<hbm>>) dst(%dma_wait3A_407 : memref<128x128xf32, #tpu.memory_space<vmem>>)
      %dma_wait3A_413 = arith.constant 640 : i32
      %dma_wait3A_414 = arith.constant 0 : i32
      %dma_wait3A_415 = tpu.memref_slice %arg7[%dma_wait3A_413, %dma_wait3A_414] : memref<768x128xf32, #tpu.memory_space<vmem>> -> memref<128x128xf32, #tpu.memory_space<vmem>>
      %dma_wait3A_416 = arith.constant 0 : i32
      %dma_wait3A_417 = tpu.memref_slice %arg6[%dma_wait3A_416] : memref<768xi32, #tpu.memory_space<vmem>> -> memref<128xi32, #tpu.memory_space<vmem>>
      %dma_wait3A_418 = arith.constant 0 : i32
      %dma_wait3A_419 = arith.constant 0 : i32
      %dma_wait3A_420 = tpu.memref_slice %arg2[%dma_wait3A_418, %dma_wait3A_419] : memref<1000000x128xf32, #tpu.memory_space<hbm>> -> memref<1000000x128xf32, #tpu.memory_space<hbm>>
      tpu.wait_indirect_dma semaphore(%arg10 : memref<!tpu.dma_semaphore, #tpu.memory_space<semaphore_mem>>) src(%dma_wait3A_420 : memref<1000000x128xf32, #tpu.memory_space<hbm>>) dst(%dma_wait3A_415 : memref<128x128xf32, #tpu.memory_space<vmem>>)
      %add3A_421 = arith.constant 5 : i32
      %add3A_422 = arith.addi %mul3A_33, %add3A_421 : i32
      %mul3A_423 = arith.constant 16384 : i32
      %mul3A_424 = arith.muli %add3A_422, %mul3A_423 : i32
      %add3A_425 = arith.addi %mul3A_424, %mul3A_49 : i32
      %dma_start3A_426 = arith.constant 512 : i32
      %dma_start3A_427 = arith.constant 0 : i32
      %dma_start3A_428 = tpu.memref_slice %arg7[%dma_start3A_426, %dma_start3A_427] : memref<768x128xf32, #tpu.memory_space<vmem>> -> memref<256x128xf32, #tpu.memory_space<vmem>>
      %dma_start3A_429 = arith.constant 0 : i32
      %dma_start3A_430 = tpu.memref_slice %arg4[%add3A_425, %dma_start3A_429] : memref<819200x128xf32, #tpu.memory_space<hbm>> -> memref<256x128xf32, #tpu.memory_space<hbm>>
      %dma_start3A_431 = arith.constant 0 : i32
      %dma_start3A_432 = tpu.memref_slice %arg4[%add3A_425, %dma_start3A_431] : memref<819200x128xf32, #tpu.memory_space<hbm>> -> memref<256x128xf32, #tpu.memory_space<hbm>>
      %dma_start3A_433 = arith.constant 512 : i32
      %dma_start3A_434 = arith.constant 0 : i32
      %dma_start3A_435 = tpu.memref_slice %arg7[%dma_start3A_433, %dma_start3A_434] : memref<768x128xf32, #tpu.memory_space<vmem>> -> memref<256x128xf32, #tpu.memory_space<vmem>>
      tpu.enqueue_dma source(%dma_start3A_435 : memref<256x128xf32, #tpu.memory_space<vmem>>) target(%dma_start3A_432 : memref<256x128xf32, #tpu.memory_space<hbm>>) target_semaphore(%arg11 : memref<!tpu.dma_semaphore, #tpu.memory_space<semaphore_mem>>)
      %dma_wait3A_436 = arith.constant 0 : i32
      %dma_wait3A_437 = arith.constant 0 : i32
      %dma_wait3A_438 = tpu.memref_slice %arg7[%dma_wait3A_436, %dma_wait3A_437] : memref<768x128xf32, #tpu.memory_space<vmem>> -> memref<256x128xf32, #tpu.memory_space<vmem>>
      %dma_wait3A_439 = arith.constant 0 : i32
      %dma_wait3A_440 = arith.constant 0 : i32
      %dma_wait3A_441 = tpu.memref_slice %arg4[%dma_wait3A_439, %dma_wait3A_440] : memref<819200x128xf32, #tpu.memory_space<hbm>> -> memref<256x128xf32, #tpu.memory_space<hbm>>
      %dma_wait3A_442 = arith.constant 0 : i32
      %dma_wait3A_443 = arith.constant 0 : i32
      %dma_wait3A_444 = tpu.memref_slice %arg4[%dma_wait3A_442, %dma_wait3A_443] : memref<819200x128xf32, #tpu.memory_space<hbm>> -> memref<256x128xf32, #tpu.memory_space<hbm>>
      %dma_wait3A_445 = arith.constant 0 : i32
      %dma_wait3A_446 = arith.constant 0 : i32
      %dma_wait3A_447 = tpu.memref_slice %arg7[%dma_wait3A_445, %dma_wait3A_446] : memref<768x128xf32, #tpu.memory_space<vmem>> -> memref<256x128xf32, #tpu.memory_space<vmem>>
      tpu.wait_dma2 semaphore(%arg12 : memref<!tpu.dma_semaphore, #tpu.memory_space<semaphore_mem>>) src(%dma_wait3A_447 : memref<256x128xf32, #tpu.memory_space<vmem>>) dst(%dma_wait3A_444 : memref<256x128xf32, #tpu.memory_space<hbm>>)
      %scan3A_448 = arith.constant 0 : i32
      %scan3A_449 = arith.constant 0 : i32
      %scan3A_450 = arith.constant 16 : i32
      %scan3A_451 = arith.addi %scan3A_449, %scan3A_450 : i32
      %scan3A_452 = arith.constant 1 : i32
      scf.for %scan3A_568 = %scan3A_449 to %scan3A_451 step %scan3A_452  : i32 {
        %mul3A_569 = arith.constant 16 : i32
        %mul3A_570 = arith.muli %scan3A_568, %mul3A_569 : i32
        %get3A = arith.constant 7 : i32
        %get3A_571 = arith.index_cast %get3A : i32 to index
        %get3A_572 = arith.index_cast %mul3A_570 : i32 to index
        %get3A_573 = tpu.vector_load %arg5[%get3A_571, %get3A_572] {strides = array<i32>} : memref<8x256xf32, #tpu.memory_space<vmem>>, vector<1x16xf32>,
        %get3A_574 = vector.shape_cast %get3A_573 : vector<1x16xf32> to vector<16xf32>
        %convert_element_type3A = arith.fptosi %get3A_574 : vector<16xf32> to vector<16xi32>
        %mul3A_575 = arith.constant 16 : i32
        %mul3A_576 = arith.muli %scan3A_568, %mul3A_575 : i32
        %add3A_577 = arith.constant 256 : i32
        %add3A_578 = arith.addi %add3A_577, %mul3A_576 : i32
        %swap3A = arith.index_cast %add3A_578 : i32 to index
        %swap3A_579 = tpu.vector_load %arg6[%swap3A] {strides = array<i32>} : memref<768xi32, #tpu.memory_space<vmem>>, vector<16xi32>,
        %swap3A_580 = vector.shape_cast %swap3A_579 : vector<16xi32> to vector<16xi32>
        %swap3A_581 = vector.shape_cast %convert_element_type3A : vector<16xi32> to vector<16xi32>
        tpu.vector_store %arg6[%swap3A], %swap3A_581 {strides = array<i32>} : memref<768xi32, #tpu.memory_space<vmem>>, vector<16xi32>,
      }
      %scan3A_453 = arith.constant 16 : i32
      %dma_start3A_454 = arith.constant 256 : i32
      %dma_start3A_455 = arith.constant 0 : i32
      %dma_start3A_456 = tpu.memref_slice %arg7[%dma_start3A_454, %dma_start3A_455] : memref<768x128xf32, #tpu.memory_space<vmem>> -> memref<128x128xf32, #tpu.memory_space<vmem>>
      %dma_start3A_457 = arith.constant 256 : i32
      %dma_start3A_458 = tpu.memref_slice %arg6[%dma_start3A_457] : memref<768xi32, #tpu.memory_space<vmem>> -> memref<128xi32, #tpu.memory_space<vmem>>
      %dma_start3A_459 = arith.constant 0 : i32
      %dma_start3A_460 = arith.constant 0 : i32
      %dma_start3A_461 = tpu.memref_slice %arg2[%dma_start3A_459, %dma_start3A_460] : memref<1000000x128xf32, #tpu.memory_space<hbm>> -> memref<1000000x128xf32, #tpu.memory_space<hbm>>
      tpu.enqueue_indirect_dma source(%dma_start3A_461 : memref<1000000x128xf32, #tpu.memory_space<hbm>>) target(%dma_start3A_456 : memref<128x128xf32, #tpu.memory_space<vmem>>) offsets(%dma_start3A_458 : memref<128xi32, #tpu.memory_space<vmem>>) semaphore(%arg9 : memref<!tpu.dma_semaphore, #tpu.memory_space<semaphore_mem>>)
      %dma_start3A_462 = arith.constant 384 : i32
      %dma_start3A_463 = arith.constant 0 : i32
      %dma_start3A_464 = tpu.memref_slice %arg7[%dma_start3A_462, %dma_start3A_463] : memref<768x128xf32, #tpu.memory_space<vmem>> -> memref<128x128xf32, #tpu.memory_space<vmem>>
      %dma_start3A_465 = arith.constant 384 : i32
      %dma_start3A_466 = tpu.memref_slice %arg6[%dma_start3A_465] : memref<768xi32, #tpu.memory_space<vmem>> -> memref<128xi32, #tpu.memory_space<vmem>>
      %dma_start3A_467 = arith.constant 0 : i32
      %dma_start3A_468 = arith.constant 0 : i32
      %dma_start3A_469 = tpu.memref_slice %arg2[%dma_start3A_467, %dma_start3A_468] : memref<1000000x128xf32, #tpu.memory_space<hbm>> -> memref<1000000x128xf32, #tpu.memory_space<hbm>>
      tpu.enqueue_indirect_dma source(%dma_start3A_469 : memref<1000000x128xf32, #tpu.memory_space<hbm>>) target(%dma_start3A_464 : memref<128x128xf32, #tpu.memory_space<vmem>>) offsets(%dma_start3A_466 : memref<128xi32, #tpu.memory_space<vmem>>) semaphore(%arg9 : memref<!tpu.dma_semaphore, #tpu.memory_space<semaphore_mem>>)
      %dma_wait3A_470 = arith.constant 0 : i32
      %dma_wait3A_471 = arith.constant 0 : i32
      %dma_wait3A_472 = tpu.memref_slice %arg7[%dma_wait3A_470, %dma_wait3A_471] : memref<768x128xf32, #tpu.memory_space<vmem>> -> memref<128x128xf32, #tpu.memory_space<vmem>>
      %dma_wait3A_473 = arith.constant 0 : i32
      %dma_wait3A_474 = tpu.memref_slice %arg6[%dma_wait3A_473] : memref<768xi32, #tpu.memory_space<vmem>> -> memref<128xi32, #tpu.memory_space<vmem>>
      %dma_wait3A_475 = arith.constant 0 : i32
      %dma_wait3A_476 = arith.constant 0 : i32
      %dma_wait3A_477 = tpu.memref_slice %arg2[%dma_wait3A_475, %dma_wait3A_476] : memref<1000000x128xf32, #tpu.memory_space<hbm>> -> memref<1000000x128xf32, #tpu.memory_space<hbm>>
      tpu.wait_indirect_dma semaphore(%arg8 : memref<!tpu.dma_semaphore, #tpu.memory_space<semaphore_mem>>) src(%dma_wait3A_477 : memref<1000000x128xf32, #tpu.memory_space<hbm>>) dst(%dma_wait3A_472 : memref<128x128xf32, #tpu.memory_space<vmem>>)
      %dma_wait3A_478 = arith.constant 128 : i32
      %dma_wait3A_479 = arith.constant 0 : i32
      %dma_wait3A_480 = tpu.memref_slice %arg7[%dma_wait3A_478, %dma_wait3A_479] : memref<768x128xf32, #tpu.memory_space<vmem>> -> memref<128x128xf32, #tpu.memory_space<vmem>>
      %dma_wait3A_481 = arith.constant 0 : i32
      %dma_wait3A_482 = tpu.memref_slice %arg6[%dma_wait3A_481] : memref<768xi32, #tpu.memory_space<vmem>> -> memref<128xi32, #tpu.memory_space<vmem>>
      %dma_wait3A_483 = arith.constant 0 : i32
      %dma_wait3A_484 = arith.constant 0 : i32
      %dma_wait3A_485 = tpu.memref_slice %arg2[%dma_wait3A_483, %dma_wait3A_484] : memref<1000000x128xf32, #tpu.memory_space<hbm>> -> memref<1000000x128xf32, #tpu.memory_space<hbm>>
      tpu.wait_indirect_dma semaphore(%arg8 : memref<!tpu.dma_semaphore, #tpu.memory_space<semaphore_mem>>) src(%dma_wait3A_485 : memref<1000000x128xf32, #tpu.memory_space<hbm>>) dst(%dma_wait3A_480 : memref<128x128xf32, #tpu.memory_space<vmem>>)
      %add3A_486 = arith.constant 6 : i32
      %add3A_487 = arith.addi %mul3A_33, %add3A_486 : i32
      %mul3A_488 = arith.constant 16384 : i32
      %mul3A_489 = arith.muli %add3A_487, %mul3A_488 : i32
      %add3A_490 = arith.addi %mul3A_489, %mul3A_49 : i32
      %dma_start3A_491 = arith.constant 0 : i32
      %dma_start3A_492 = arith.constant 0 : i32
      %dma_start3A_493 = tpu.memref_slice %arg7[%dma_start3A_491, %dma_start3A_492] : memref<768x128xf32, #tpu.memory_space<vmem>> -> memref<256x128xf32, #tpu.memory_space<vmem>>
      %dma_start3A_494 = arith.constant 0 : i32
      %dma_start3A_495 = tpu.memref_slice %arg4[%add3A_490, %dma_start3A_494] : memref<819200x128xf32, #tpu.memory_space<hbm>> -> memref<256x128xf32, #tpu.memory_space<hbm>>
      %dma_start3A_496 = arith.constant 0 : i32
      %dma_start3A_497 = tpu.memref_slice %arg4[%add3A_490, %dma_start3A_496] : memref<819200x128xf32, #tpu.memory_space<hbm>> -> memref<256x128xf32, #tpu.memory_space<hbm>>
      %dma_start3A_498 = arith.constant 0 : i32
      %dma_start3A_499 = arith.constant 0 : i32
      %dma_start3A_500 = tpu.memref_slice %arg7[%dma_start3A_498, %dma_start3A_499] : memref<768x128xf32, #tpu.memory_space<vmem>> -> memref<256x128xf32, #tpu.memory_space<vmem>>
      tpu.enqueue_dma source(%dma_start3A_500 : memref<256x128xf32, #tpu.memory_space<vmem>>) target(%dma_start3A_497 : memref<256x128xf32, #tpu.memory_space<hbm>>) target_semaphore(%arg12 : memref<!tpu.dma_semaphore, #tpu.memory_space<semaphore_mem>>)
      %dma_wait3A_501 = arith.constant 256 : i32
      %dma_wait3A_502 = arith.constant 0 : i32
      %dma_wait3A_503 = tpu.memref_slice %arg7[%dma_wait3A_501, %dma_wait3A_502] : memref<768x128xf32, #tpu.memory_space<vmem>> -> memref<128x128xf32, #tpu.memory_space<vmem>>
      %dma_wait3A_504 = arith.constant 0 : i32
      %dma_wait3A_505 = tpu.memref_slice %arg6[%dma_wait3A_504] : memref<768xi32, #tpu.memory_space<vmem>> -> memref<128xi32, #tpu.memory_space<vmem>>
      %dma_wait3A_506 = arith.constant 0 : i32
      %dma_wait3A_507 = arith.constant 0 : i32
      %dma_wait3A_508 = tpu.memref_slice %arg2[%dma_wait3A_506, %dma_wait3A_507] : memref<1000000x128xf32, #tpu.memory_space<hbm>> -> memref<1000000x128xf32, #tpu.memory_space<hbm>>
      tpu.wait_indirect_dma semaphore(%arg9 : memref<!tpu.dma_semaphore, #tpu.memory_space<semaphore_mem>>) src(%dma_wait3A_508 : memref<1000000x128xf32, #tpu.memory_space<hbm>>) dst(%dma_wait3A_503 : memref<128x128xf32, #tpu.memory_space<vmem>>)
      %dma_wait3A_509 = arith.constant 384 : i32
      %dma_wait3A_510 = arith.constant 0 : i32
      %dma_wait3A_511 = tpu.memref_slice %arg7[%dma_wait3A_509, %dma_wait3A_510] : memref<768x128xf32, #tpu.memory_space<vmem>> -> memref<128x128xf32, #tpu.memory_space<vmem>>
      %dma_wait3A_512 = arith.constant 0 : i32
      %dma_wait3A_513 = tpu.memref_slice %arg6[%dma_wait3A_512] : memref<768xi32, #tpu.memory_space<vmem>> -> memref<128xi32, #tpu.memory_space<vmem>>
      %dma_wait3A_514 = arith.constant 0 : i32
      %dma_wait3A_515 = arith.constant 0 : i32
      %dma_wait3A_516 = tpu.memref_slice %arg2[%dma_wait3A_514, %dma_wait3A_515] : memref<1000000x128xf32, #tpu.memory_space<hbm>> -> memref<1000000x128xf32, #tpu.memory_space<hbm>>
      tpu.wait_indirect_dma semaphore(%arg9 : memref<!tpu.dma_semaphore, #tpu.memory_space<semaphore_mem>>) src(%dma_wait3A_516 : memref<1000000x128xf32, #tpu.memory_space<hbm>>) dst(%dma_wait3A_511 : memref<128x128xf32, #tpu.memory_space<vmem>>)
      %add3A_517 = arith.constant 7 : i32
      %add3A_518 = arith.addi %mul3A_33, %add3A_517 : i32
      %mul3A_519 = arith.constant 16384 : i32
      %mul3A_520 = arith.muli %add3A_518, %mul3A_519 : i32
      %add3A_521 = arith.addi %mul3A_520, %mul3A_49 : i32
      %dma_start3A_522 = arith.constant 256 : i32
      %dma_start3A_523 = arith.constant 0 : i32
      %dma_start3A_524 = tpu.memref_slice %arg7[%dma_start3A_522, %dma_start3A_523] : memref<768x128xf32, #tpu.memory_space<vmem>> -> memref<256x128xf32, #tpu.memory_space<vmem>>
      %dma_start3A_525 = arith.constant 0 : i32
      %dma_start3A_526 = tpu.memref_slice %arg4[%add3A_521, %dma_start3A_525] : memref<819200x128xf32, #tpu.memory_space<hbm>> -> memref<256x128xf32, #tpu.memory_space<hbm>>
      %dma_start3A_527 = arith.constant 0 : i32
      %dma_start3A_528 = tpu.memref_slice %arg4[%add3A_521, %dma_start3A_527] : memref<819200x128xf32, #tpu.memory_space<hbm>> -> memref<256x128xf32, #tpu.memory_space<hbm>>
      %dma_start3A_529 = arith.constant 256 : i32
      %dma_start3A_530 = arith.constant 0 : i32
      %dma_start3A_531 = tpu.memref_slice %arg7[%dma_start3A_529, %dma_start3A_530] : memref<768x128xf32, #tpu.memory_space<vmem>> -> memref<256x128xf32, #tpu.memory_space<vmem>>
      tpu.enqueue_dma source(%dma_start3A_531 : memref<256x128xf32, #tpu.memory_space<vmem>>) target(%dma_start3A_528 : memref<256x128xf32, #tpu.memory_space<hbm>>) target_semaphore(%arg11 : memref<!tpu.dma_semaphore, #tpu.memory_space<semaphore_mem>>)
      %dma_wait3A_532 = arith.constant 0 : i32
      %dma_wait3A_533 = arith.constant 0 : i32
      %dma_wait3A_534 = tpu.memref_slice %arg7[%dma_wait3A_532, %dma_wait3A_533] : memref<768x128xf32, #tpu.memory_space<vmem>> -> memref<256x128xf32, #tpu.memory_space<vmem>>
      %dma_wait3A_535 = arith.constant 0 : i32
      %dma_wait3A_536 = arith.constant 0 : i32
      %dma_wait3A_537 = tpu.memref_slice %arg4[%dma_wait3A_535, %dma_wait3A_536] : memref<819200x128xf32, #tpu.memory_space<hbm>> -> memref<256x128xf32, #tpu.memory_space<hbm>>
      %dma_wait3A_538 = arith.constant 0 : i32
      %dma_wait3A_539 = arith.constant 0 : i32
      %dma_wait3A_540 = tpu.memref_slice %arg4[%dma_wait3A_538, %dma_wait3A_539] : memref<819200x128xf32, #tpu.memory_space<hbm>> -> memref<256x128xf32, #tpu.memory_space<hbm>>
      %dma_wait3A_541 = arith.constant 0 : i32
      %dma_wait3A_542 = arith.constant 0 : i32
      %dma_wait3A_543 = tpu.memref_slice %arg7[%dma_wait3A_541, %dma_wait3A_542] : memref<768x128xf32, #tpu.memory_space<vmem>> -> memref<256x128xf32, #tpu.memory_space<vmem>>
      tpu.wait_dma2 semaphore(%arg11 : memref<!tpu.dma_semaphore, #tpu.memory_space<semaphore_mem>>) src(%dma_wait3A_543 : memref<256x128xf32, #tpu.memory_space<vmem>>) dst(%dma_wait3A_540 : memref<256x128xf32, #tpu.memory_space<hbm>>)
      %dma_wait3A_544 = arith.constant 0 : i32
      %dma_wait3A_545 = arith.constant 0 : i32
      %dma_wait3A_546 = tpu.memref_slice %arg7[%dma_wait3A_544, %dma_wait3A_545] : memref<768x128xf32, #tpu.memory_space<vmem>> -> memref<256x128xf32, #tpu.memory_space<vmem>>
      %dma_wait3A_547 = arith.constant 0 : i32
      %dma_wait3A_548 = arith.constant 0 : i32
      %dma_wait3A_549 = tpu.memref_slice %arg4[%dma_wait3A_547, %dma_wait3A_548] : memref<819200x128xf32, #tpu.memory_space<hbm>> -> memref<256x128xf32, #tpu.memory_space<hbm>>
      %dma_wait3A_550 = arith.constant 0 : i32
      %dma_wait3A_551 = arith.constant 0 : i32
      %dma_wait3A_552 = tpu.memref_slice %arg4[%dma_wait3A_550, %dma_wait3A_551] : memref<819200x128xf32, #tpu.memory_space<hbm>> -> memref<256x128xf32, #tpu.memory_space<hbm>>
      %dma_wait3A_553 = arith.constant 0 : i32
      %dma_wait3A_554 = arith.constant 0 : i32
      %dma_wait3A_555 = tpu.memref_slice %arg7[%dma_wait3A_553, %dma_wait3A_554] : memref<768x128xf32, #tpu.memory_space<vmem>> -> memref<256x128xf32, #tpu.memory_space<vmem>>
      tpu.wait_dma2 semaphore(%arg12 : memref<!tpu.dma_semaphore, #tpu.memory_space<semaphore_mem>>) src(%dma_wait3A_555 : memref<256x128xf32, #tpu.memory_space<vmem>>) dst(%dma_wait3A_552 : memref<256x128xf32, #tpu.memory_space<hbm>>)
      %dma_wait3A_556 = arith.constant 0 : i32
      %dma_wait3A_557 = arith.constant 0 : i32
      %dma_wait3A_558 = tpu.memref_slice %arg7[%dma_wait3A_556, %dma_wait3A_557] : memref<768x128xf32, #tpu.memory_space<vmem>> -> memref<256x128xf32, #tpu.memory_space<vmem>>
      %dma_wait3A_559 = arith.constant 0 : i32
      %dma_wait3A_560 = arith.constant 0 : i32
      %dma_wait3A_561 = tpu.memref_slice %arg4[%dma_wait3A_559, %dma_wait3A_560] : memref<819200x128xf32, #tpu.memory_space<hbm>> -> memref<256x128xf32, #tpu.memory_space<hbm>>
      %dma_wait3A_562 = arith.constant 0 : i32
      %dma_wait3A_563 = arith.constant 0 : i32
      %dma_wait3A_564 = tpu.memref_slice %arg4[%dma_wait3A_562, %dma_wait3A_563] : memref<819200x128xf32, #tpu.memory_space<hbm>> -> memref<256x128xf32, #tpu.memory_space<hbm>>
      %dma_wait3A_565 = arith.constant 0 : i32
      %dma_wait3A_566 = arith.constant 0 : i32
      %dma_wait3A_567 = tpu.memref_slice %arg7[%dma_wait3A_565, %dma_wait3A_566] : memref<768x128xf32, #tpu.memory_space<vmem>> -> memref<256x128xf32, #tpu.memory_space<vmem>>
      tpu.wait_dma2 semaphore(%arg11 : memref<!tpu.dma_semaphore, #tpu.memory_space<semaphore_mem>>) src(%dma_wait3A_567 : memref<256x128xf32, #tpu.memory_space<vmem>>) dst(%dma_wait3A_564 : memref<256x128xf32, #tpu.memory_space<hbm>>)
    }
    %scan3A_5 = arith.constant 12 : i32
    %scan3A_6 = arith.constant 0 : i32
    %scan3A_7 = arith.constant 0 : i32
    %scan3A_8 = arith.constant 2 : i32
    %scan3A_9 = arith.addi %scan3A_7, %scan3A_8 : i32
    %scan3A_10 = arith.constant 1 : i32
    scf.for %scan3A_12 = %scan3A_7 to %scan3A_9 step %scan3A_10  : i32 {
      %add3A_13 = arith.constant 384 : i32
      %add3A_14 = arith.addi %add3A_13, %add3A : i32
      %mul3A_15 = arith.constant 32 : i32
      %mul3A_16 = arith.muli %scan3A_12, %mul3A_15 : i32
      %add3A_17 = arith.addi %add3A_14, %mul3A_16 : i32
      %jit3A = arith.constant 64 : i32
      %div3A = arith.divsi %add3A_17, %jit3A : i32
      %sign3A = arith.constant 0 : i32
      %sign3A_18 = arith.cmpi sgt, %add3A_17, %sign3A : i32
      %sign3A_19 = arith.extui %sign3A_18 : i1 to i32
      %sign3A_20 = arith.constant 0 : i32
      %sign3A_21 = arith.cmpi slt, %add3A_17, %sign3A_20 : i32
      %sign3A_22 = arith.extui %sign3A_21 : i1 to i32
      %sign3A_23 = arith.subi %sign3A_19, %sign3A_22 : i32
      %sign3A_24 = arith.constant 0 : i32
      %sign3A_25 = arith.cmpi sgt, %jit3A, %sign3A_24 : i32
      %sign3A_26 = arith.extui %sign3A_25 : i1 to i32
      %sign3A_27 = arith.constant 0 : i32
      %sign3A_28 = arith.cmpi slt, %jit3A, %sign3A_27 : i32
      %sign3A_29 = arith.extui %sign3A_28 : i1 to i32
      %sign3A_30 = arith.subi %sign3A_26, %sign3A_29 : i32
      %ne3A = arith.cmpi ne, %sign3A_23, %sign3A_30 : i32
      %rem3A = arith.remsi %add3A_17, %jit3A : i32
      %ne3A_31 = arith.constant 0 : i32
      %ne3A_32 = arith.cmpi ne, %rem3A, %ne3A_31 : i32
      %and3A = arith.andi %ne3A, %ne3A_32 : i1
      %sub3A = arith.constant 1 : i32
      %sub3A_33 = arith.subi %div3A, %sub3A : i32
      %select_n3A = arith.select %and3A, %sub3A_33, %div3A : i32
      %mul3A_34 = arith.constant 8 : i32
      %mul3A_35 = arith.muli %select_n3A, %mul3A_34 : i32
      %jit3A_36 = arith.constant 64 : i32
      %eq3A = arith.constant 0 : i32
      %eq3A_37 = arith.cmpi eq, %jit3A_36, %eq3A : i32
      %jit3A_38 = arith.constant 1 : i32
      %select_n3A_39 = arith.select %eq3A_37, %jit3A_38, %jit3A_36 : i32
      %rem3A_40 = arith.remsi %add3A_17, %select_n3A_39 : i32
      %ne3A_41 = arith.constant 0 : i32
      %ne3A_42 = arith.cmpi ne, %rem3A_40, %ne3A_41 : i32
      %lt3A = arith.constant 0 : i32
      %lt3A_43 = arith.cmpi slt, %rem3A_40, %lt3A : i32
      %lt3A_44 = arith.constant 0 : i32
      %lt3A_45 = arith.cmpi slt, %select_n3A_39, %lt3A_44 : i32
      %ne3A_46 = arith.xori %lt3A_43, %lt3A_45 : i1
      %and3A_47 = arith.andi %ne3A_46, %ne3A_42 : i1
      %add3A_48 = arith.addi %rem3A_40, %select_n3A_39 : i32
      %select_n3A_49 = arith.select %and3A_47, %add3A_48, %rem3A_40 : i32
      %mul3A_50 = arith.constant 256 : i32
      %mul3A_51 = arith.muli %select_n3A_49, %mul3A_50 : i32
      "tpu.region"() ({
        %run_scoped3A = tpu.sem_alloc : memref<!tpu.dma_semaphore, #tpu.memory_space<semaphore_mem>>
        %dma_start3A_180 = tpu.memref_slice %arg3[%mul3A_35, %mul3A_51] : memref<56x16384xf32, #tpu.memory_space<hbm>> -> memref<8x256xf32, #tpu.memory_space<hbm>>
        %dma_start3A_181 = tpu.memref_slice %arg3[%mul3A_35, %mul3A_51] : memref<56x16384xf32, #tpu.memory_space<hbm>> -> memref<8x256xf32, #tpu.memory_space<hbm>>
        tpu.enqueue_dma source(%dma_start3A_181 : memref<8x256xf32, #tpu.memory_space<hbm>>) target(%arg5 : memref<8x256xf32, #tpu.memory_space<vmem>>) target_semaphore(%run_scoped3A : memref<!tpu.dma_semaphore, #tpu.memory_space<semaphore_mem>>)
        %dma_wait3A_182 = tpu.memref_slice %arg3[%mul3A_35, %mul3A_51] : memref<56x16384xf32, #tpu.memory_space<hbm>> -> memref<8x256xf32, #tpu.memory_space<hbm>>
        %dma_wait3A_183 = tpu.memref_slice %arg3[%mul3A_35, %mul3A_51] : memref<56x16384xf32, #tpu.memory_space<hbm>> -> memref<8x256xf32, #tpu.memory_space<hbm>>
        tpu.wait_dma2 semaphore(%run_scoped3A : memref<!tpu.dma_semaphore, #tpu.memory_space<semaphore_mem>>) src(%dma_wait3A_183 : memref<8x256xf32, #tpu.memory_space<hbm>>) dst(%arg5 : memref<8x256xf32, #tpu.memory_space<vmem>>)
        tpu.yield
      }) : () -> ()
      %scan3A_52 = arith.constant 0 : i32
      %scan3A_53 = arith.constant 0 : i32
      %scan3A_54 = arith.constant 16 : i32
      %scan3A_55 = arith.addi %scan3A_53, %scan3A_54 : i32
      %scan3A_56 = arith.constant 1 : i32
      scf.for %scan3A_180 = %scan3A_53 to %scan3A_55 step %scan3A_56  : i32 {
        %mul3A_181 = arith.constant 16 : i32
        %mul3A_182 = arith.muli %scan3A_180, %mul3A_181 : i32
        %get3A = arith.constant 0 : i32
        %get3A_183 = arith.index_cast %get3A : i32 to index
        %get3A_184 = arith.index_cast %mul3A_182 : i32 to index
        %get3A_185 = tpu.vector_load %arg5[%get3A_183, %get3A_184] {strides = array<i32>} : memref<8x256xf32, #tpu.memory_space<vmem>>, vector<1x16xf32>,
        %get3A_186 = vector.shape_cast %get3A_185 : vector<1x16xf32> to vector<16xf32>
        %convert_element_type3A = arith.fptosi %get3A_186 : vector<16xf32> to vector<16xi32>
        %mul3A_187 = arith.constant 16 : i32
        %mul3A_188 = arith.muli %scan3A_180, %mul3A_187 : i32
        %add3A_189 = arith.constant 0 : i32
        %add3A_190 = arith.addi %add3A_189, %mul3A_188 : i32
        %swap3A = arith.index_cast %add3A_190 : i32 to index
        %swap3A_191 = tpu.vector_load %arg6[%swap3A] {strides = array<i32>} : memref<768xi32, #tpu.memory_space<vmem>>, vector<16xi32>,
        %swap3A_192 = vector.shape_cast %swap3A_191 : vector<16xi32> to vector<16xi32>
        %swap3A_193 = vector.shape_cast %convert_element_type3A : vector<16xi32> to vector<16xi32>
        tpu.vector_store %arg6[%swap3A], %swap3A_193 {strides = array<i32>} : memref<768xi32, #tpu.memory_space<vmem>>, vector<16xi32>,
      }
      %scan3A_57 = arith.constant 16 : i32
      %dma_start3A = arith.constant 0 : i32
      %dma_start3A_58 = arith.constant 0 : i32
      %dma_start3A_59 = tpu.memref_slice %arg7[%dma_start3A, %dma_start3A_58] : memref<768x128xf32, #tpu.memory_space<vmem>> -> memref<128x128xf32, #tpu.memory_space<vmem>>
      %dma_start3A_60 = arith.constant 0 : i32
      %dma_start3A_61 = tpu.memref_slice %arg6[%dma_start3A_60] : memref<768xi32, #tpu.memory_space<vmem>> -> memref<128xi32, #tpu.memory_space<vmem>>
      %dma_start3A_62 = arith.constant 0 : i32
      %dma_start3A_63 = arith.constant 0 : i32
      %dma_start3A_64 = tpu.memref_slice %arg2[%dma_start3A_62, %dma_start3A_63] : memref<1000000x128xf32, #tpu.memory_space<hbm>> -> memref<1000000x128xf32, #tpu.memory_space<hbm>>
      tpu.enqueue_indirect_dma source(%dma_start3A_64 : memref<1000000x128xf32, #tpu.memory_space<hbm>>) target(%dma_start3A_59 : memref<128x128xf32, #tpu.memory_space<vmem>>) offsets(%dma_start3A_61 : memref<128xi32, #tpu.memory_space<vmem>>) semaphore(%arg8 : memref<!tpu.dma_semaphore, #tpu.memory_space<semaphore_mem>>)
      %dma_start3A_65 = arith.constant 128 : i32
      %dma_start3A_66 = arith.constant 0 : i32
      %dma_start3A_67 = tpu.memref_slice %arg7[%dma_start3A_65, %dma_start3A_66] : memref<768x128xf32, #tpu.memory_space<vmem>> -> memref<128x128xf32, #tpu.memory_space<vmem>>
      %dma_start3A_68 = arith.constant 128 : i32
      %dma_start3A_69 = tpu.memref_slice %arg6[%dma_start3A_68] : memref<768xi32, #tpu.memory_space<vmem>> -> memref<128xi32, #tpu.memory_space<vmem>>
      %dma_start3A_70 = arith.constant 0 : i32
      %dma_start3A_71 = arith.constant 0 : i32
      %dma_start3A_72 = tpu.memref_slice %arg2[%dma_start3A_70, %dma_start3A_71] : memref<1000000x128xf32, #tpu.memory_space<hbm>> -> memref<1000000x128xf32, #tpu.memory_space<hbm>>
      tpu.enqueue_indirect_dma source(%dma_start3A_72 : memref<1000000x128xf32, #tpu.memory_space<hbm>>) target(%dma_start3A_67 : memref<128x128xf32, #tpu.memory_space<vmem>>) offsets(%dma_start3A_69 : memref<128xi32, #tpu.memory_space<vmem>>) semaphore(%arg8 : memref<!tpu.dma_semaphore, #tpu.memory_space<semaphore_mem>>)
      %scan3A_73 = arith.constant 0 : i32
      %scan3A_74 = arith.constant 0 : i32
      %scan3A_75 = arith.constant 16 : i32
      %scan3A_76 = arith.addi %scan3A_74, %scan3A_75 : i32
      %scan3A_77 = arith.constant 1 : i32
      scf.for %scan3A_180 = %scan3A_74 to %scan3A_76 step %scan3A_77  : i32 {
        %mul3A_181 = arith.constant 16 : i32
        %mul3A_182 = arith.muli %scan3A_180, %mul3A_181 : i32
        %get3A = arith.constant 1 : i32
        %get3A_183 = arith.index_cast %get3A : i32 to index
        %get3A_184 = arith.index_cast %mul3A_182 : i32 to index
        %get3A_185 = tpu.vector_load %arg5[%get3A_183, %get3A_184] {strides = array<i32>} : memref<8x256xf32, #tpu.memory_space<vmem>>, vector<1x16xf32>,
        %get3A_186 = vector.shape_cast %get3A_185 : vector<1x16xf32> to vector<16xf32>
        %convert_element_type3A = arith.fptosi %get3A_186 : vector<16xf32> to vector<16xi32>
        %mul3A_187 = arith.constant 16 : i32
        %mul3A_188 = arith.muli %scan3A_180, %mul3A_187 : i32
        %add3A_189 = arith.constant 256 : i32
        %add3A_190 = arith.addi %add3A_189, %mul3A_188 : i32
        %swap3A = arith.index_cast %add3A_190 : i32 to index
        %swap3A_191 = tpu.vector_load %arg6[%swap3A] {strides = array<i32>} : memref<768xi32, #tpu.memory_space<vmem>>, vector<16xi32>,
        %swap3A_192 = vector.shape_cast %swap3A_191 : vector<16xi32> to vector<16xi32>
        %swap3A_193 = vector.shape_cast %convert_element_type3A : vector<16xi32> to vector<16xi32>
        tpu.vector_store %arg6[%swap3A], %swap3A_193 {strides = array<i32>} : memref<768xi32, #tpu.memory_space<vmem>>, vector<16xi32>,
      }
      %scan3A_78 = arith.constant 16 : i32
      %dma_start3A_79 = arith.constant 256 : i32
      %dma_start3A_80 = arith.constant 0 : i32
      %dma_start3A_81 = tpu.memref_slice %arg7[%dma_start3A_79, %dma_start3A_80] : memref<768x128xf32, #tpu.memory_space<vmem>> -> memref<128x128xf32, #tpu.memory_space<vmem>>
      %dma_start3A_82 = arith.constant 256 : i32
      %dma_start3A_83 = tpu.memref_slice %arg6[%dma_start3A_82] : memref<768xi32, #tpu.memory_space<vmem>> -> memref<128xi32, #tpu.memory_space<vmem>>
      %dma_start3A_84 = arith.constant 0 : i32
      %dma_start3A_85 = arith.constant 0 : i32
      %dma_start3A_86 = tpu.memref_slice %arg2[%dma_start3A_84, %dma_start3A_85] : memref<1000000x128xf32, #tpu.memory_space<hbm>> -> memref<1000000x128xf32, #tpu.memory_space<hbm>>
      tpu.enqueue_indirect_dma source(%dma_start3A_86 : memref<1000000x128xf32, #tpu.memory_space<hbm>>) target(%dma_start3A_81 : memref<128x128xf32, #tpu.memory_space<vmem>>) offsets(%dma_start3A_83 : memref<128xi32, #tpu.memory_space<vmem>>) semaphore(%arg9 : memref<!tpu.dma_semaphore, #tpu.memory_space<semaphore_mem>>)
      %dma_start3A_87 = arith.constant 384 : i32
      %dma_start3A_88 = arith.constant 0 : i32
      %dma_start3A_89 = tpu.memref_slice %arg7[%dma_start3A_87, %dma_start3A_88] : memref<768x128xf32, #tpu.memory_space<vmem>> -> memref<128x128xf32, #tpu.memory_space<vmem>>
      %dma_start3A_90 = arith.constant 384 : i32
      %dma_start3A_91 = tpu.memref_slice %arg6[%dma_start3A_90] : memref<768xi32, #tpu.memory_space<vmem>> -> memref<128xi32, #tpu.memory_space<vmem>>
      %dma_start3A_92 = arith.constant 0 : i32
      %dma_start3A_93 = arith.constant 0 : i32
      %dma_start3A_94 = tpu.memref_slice %arg2[%dma_start3A_92, %dma_start3A_93] : memref<1000000x128xf32, #tpu.memory_space<hbm>> -> memref<1000000x128xf32, #tpu.memory_space<hbm>>
      tpu.enqueue_indirect_dma source(%dma_start3A_94 : memref<1000000x128xf32, #tpu.memory_space<hbm>>) target(%dma_start3A_89 : memref<128x128xf32, #tpu.memory_space<vmem>>) offsets(%dma_start3A_91 : memref<128xi32, #tpu.memory_space<vmem>>) semaphore(%arg9 : memref<!tpu.dma_semaphore, #tpu.memory_space<semaphore_mem>>)
      %dma_wait3A = arith.constant 0 : i32
      %dma_wait3A_95 = arith.constant 0 : i32
      %dma_wait3A_96 = tpu.memref_slice %arg7[%dma_wait3A, %dma_wait3A_95] : memref<768x128xf32, #tpu.memory_space<vmem>> -> memref<128x128xf32, #tpu.memory_space<vmem>>
      %dma_wait3A_97 = arith.constant 0 : i32
      %dma_wait3A_98 = tpu.memref_slice %arg6[%dma_wait3A_97] : memref<768xi32, #tpu.memory_space<vmem>> -> memref<128xi32, #tpu.memory_space<vmem>>
      %dma_wait3A_99 = arith.constant 0 : i32
      %dma_wait3A_100 = arith.constant 0 : i32
      %dma_wait3A_101 = tpu.memref_slice %arg2[%dma_wait3A_99, %dma_wait3A_100] : memref<1000000x128xf32, #tpu.memory_space<hbm>> -> memref<1000000x128xf32, #tpu.memory_space<hbm>>
      tpu.wait_indirect_dma semaphore(%arg8 : memref<!tpu.dma_semaphore, #tpu.memory_space<semaphore_mem>>) src(%dma_wait3A_101 : memref<1000000x128xf32, #tpu.memory_space<hbm>>) dst(%dma_wait3A_96 : memref<128x128xf32, #tpu.memory_space<vmem>>)
      %dma_wait3A_102 = arith.constant 128 : i32
      %dma_wait3A_103 = arith.constant 0 : i32
      %dma_wait3A_104 = tpu.memref_slice %arg7[%dma_wait3A_102, %dma_wait3A_103] : memref<768x128xf32, #tpu.memory_space<vmem>> -> memref<128x128xf32, #tpu.memory_space<vmem>>
      %dma_wait3A_105 = arith.constant 0 : i32
      %dma_wait3A_106 = tpu.memref_slice %arg6[%dma_wait3A_105] : memref<768xi32, #tpu.memory_space<vmem>> -> memref<128xi32, #tpu.memory_space<vmem>>
      %dma_wait3A_107 = arith.constant 0 : i32
      %dma_wait3A_108 = arith.constant 0 : i32
      %dma_wait3A_109 = tpu.memref_slice %arg2[%dma_wait3A_107, %dma_wait3A_108] : memref<1000000x128xf32, #tpu.memory_space<hbm>> -> memref<1000000x128xf32, #tpu.memory_space<hbm>>
      tpu.wait_indirect_dma semaphore(%arg8 : memref<!tpu.dma_semaphore, #tpu.memory_space<semaphore_mem>>) src(%dma_wait3A_109 : memref<1000000x128xf32, #tpu.memory_space<hbm>>) dst(%dma_wait3A_104 : memref<128x128xf32, #tpu.memory_space<vmem>>)
      %add3A_110 = arith.constant 0 : i32
      %add3A_111 = arith.addi %mul3A_35, %add3A_110 : i32
      %mul3A_112 = arith.constant 16384 : i32
      %mul3A_113 = arith.muli %add3A_111, %mul3A_112 : i32
      %add3A_114 = arith.addi %mul3A_113, %mul3A_51 : i32
      %dma_start3A_115 = arith.constant 0 : i32
      %dma_start3A_116 = arith.constant 0 : i32
      %dma_start3A_117 = tpu.memref_slice %arg7[%dma_start3A_115, %dma_start3A_116] : memref<768x128xf32, #tpu.memory_space<vmem>> -> memref<256x128xf32, #tpu.memory_space<vmem>>
      %dma_start3A_118 = arith.constant 0 : i32
      %dma_start3A_119 = tpu.memref_slice %arg4[%add3A_114, %dma_start3A_118] : memref<819200x128xf32, #tpu.memory_space<hbm>> -> memref<256x128xf32, #tpu.memory_space<hbm>>
      %dma_start3A_120 = arith.constant 0 : i32
      %dma_start3A_121 = tpu.memref_slice %arg4[%add3A_114, %dma_start3A_120] : memref<819200x128xf32, #tpu.memory_space<hbm>> -> memref<256x128xf32, #tpu.memory_space<hbm>>
      %dma_start3A_122 = arith.constant 0 : i32
      %dma_start3A_123 = arith.constant 0 : i32
      %dma_start3A_124 = tpu.memref_slice %arg7[%dma_start3A_122, %dma_start3A_123] : memref<768x128xf32, #tpu.memory_space<vmem>> -> memref<256x128xf32, #tpu.memory_space<vmem>>
      tpu.enqueue_dma source(%dma_start3A_124 : memref<256x128xf32, #tpu.memory_space<vmem>>) target(%dma_start3A_121 : memref<256x128xf32, #tpu.memory_space<hbm>>) target_semaphore(%arg12 : memref<!tpu.dma_semaphore, #tpu.memory_space<semaphore_mem>>)
      %dma_wait3A_125 = arith.constant 256 : i32
      %dma_wait3A_126 = arith.constant 0 : i32
      %dma_wait3A_127 = tpu.memref_slice %arg7[%dma_wait3A_125, %dma_wait3A_126] : memref<768x128xf32, #tpu.memory_space<vmem>> -> memref<128x128xf32, #tpu.memory_space<vmem>>
      %dma_wait3A_128 = arith.constant 0 : i32
      %dma_wait3A_129 = tpu.memref_slice %arg6[%dma_wait3A_128] : memref<768xi32, #tpu.memory_space<vmem>> -> memref<128xi32, #tpu.memory_space<vmem>>
      %dma_wait3A_130 = arith.constant 0 : i32
      %dma_wait3A_131 = arith.constant 0 : i32
      %dma_wait3A_132 = tpu.memref_slice %arg2[%dma_wait3A_130, %dma_wait3A_131] : memref<1000000x128xf32, #tpu.memory_space<hbm>> -> memref<1000000x128xf32, #tpu.memory_space<hbm>>
      tpu.wait_indirect_dma semaphore(%arg9 : memref<!tpu.dma_semaphore, #tpu.memory_space<semaphore_mem>>) src(%dma_wait3A_132 : memref<1000000x128xf32, #tpu.memory_space<hbm>>) dst(%dma_wait3A_127 : memref<128x128xf32, #tpu.memory_space<vmem>>)
      %dma_wait3A_133 = arith.constant 384 : i32
      %dma_wait3A_134 = arith.constant 0 : i32
      %dma_wait3A_135 = tpu.memref_slice %arg7[%dma_wait3A_133, %dma_wait3A_134] : memref<768x128xf32, #tpu.memory_space<vmem>> -> memref<128x128xf32, #tpu.memory_space<vmem>>
      %dma_wait3A_136 = arith.constant 0 : i32
      %dma_wait3A_137 = tpu.memref_slice %arg6[%dma_wait3A_136] : memref<768xi32, #tpu.memory_space<vmem>> -> memref<128xi32, #tpu.memory_space<vmem>>
      %dma_wait3A_138 = arith.constant 0 : i32
      %dma_wait3A_139 = arith.constant 0 : i32
      %dma_wait3A_140 = tpu.memref_slice %arg2[%dma_wait3A_138, %dma_wait3A_139] : memref<1000000x128xf32, #tpu.memory_space<hbm>> -> memref<1000000x128xf32, #tpu.memory_space<hbm>>
      tpu.wait_indirect_dma semaphore(%arg9 : memref<!tpu.dma_semaphore, #tpu.memory_space<semaphore_mem>>) src(%dma_wait3A_140 : memref<1000000x128xf32, #tpu.memory_space<hbm>>) dst(%dma_wait3A_135 : memref<128x128xf32, #tpu.memory_space<vmem>>)
      %add3A_141 = arith.constant 1 : i32
      %add3A_142 = arith.addi %mul3A_35, %add3A_141 : i32
      %mul3A_143 = arith.constant 16384 : i32
      %mul3A_144 = arith.muli %add3A_142, %mul3A_143 : i32
      %add3A_145 = arith.addi %mul3A_144, %mul3A_51 : i32
      %dma_start3A_146 = arith.constant 256 : i32
      %dma_start3A_147 = arith.constant 0 : i32
      %dma_start3A_148 = tpu.memref_slice %arg7[%dma_start3A_146, %dma_start3A_147] : memref<768x128xf32, #tpu.memory_space<vmem>> -> memref<256x128xf32, #tpu.memory_space<vmem>>
      %dma_start3A_149 = arith.constant 0 : i32
      %dma_start3A_150 = tpu.memref_slice %arg4[%add3A_145, %dma_start3A_149] : memref<819200x128xf32, #tpu.memory_space<hbm>> -> memref<256x128xf32, #tpu.memory_space<hbm>>
      %dma_start3A_151 = arith.constant 0 : i32
      %dma_start3A_152 = tpu.memref_slice %arg4[%add3A_145, %dma_start3A_151] : memref<819200x128xf32, #tpu.memory_space<hbm>> -> memref<256x128xf32, #tpu.memory_space<hbm>>
      %dma_start3A_153 = arith.constant 256 : i32
      %dma_start3A_154 = arith.constant 0 : i32
      %dma_start3A_155 = tpu.memref_slice %arg7[%dma_start3A_153, %dma_start3A_154] : memref<768x128xf32, #tpu.memory_space<vmem>> -> memref<256x128xf32, #tpu.memory_space<vmem>>
      tpu.enqueue_dma source(%dma_start3A_155 : memref<256x128xf32, #tpu.memory_space<vmem>>) target(%dma_start3A_152 : memref<256x128xf32, #tpu.memory_space<hbm>>) target_semaphore(%arg11 : memref<!tpu.dma_semaphore, #tpu.memory_space<semaphore_mem>>)
      %dma_wait3A_156 = arith.constant 0 : i32
      %dma_wait3A_157 = arith.constant 0 : i32
      %dma_wait3A_158 = tpu.memref_slice %arg7[%dma_wait3A_156, %dma_wait3A_157] : memref<768x128xf32, #tpu.memory_space<vmem>> -> memref<256x128xf32, #tpu.memory_space<vmem>>
      %dma_wait3A_159 = arith.constant 0 : i32
      %dma_wait3A_160 = arith.constant 0 : i32
      %dma_wait3A_161 = tpu.memref_slice %arg4[%dma_wait3A_159, %dma_wait3A_160] : memref<819200x128xf32, #tpu.memory_space<hbm>> -> memref<256x128xf32, #tpu.memory_space<hbm>>
      %dma_wait3A_162 = arith.constant 0 : i32
      %dma_wait3A_163 = arith.constant 0 : i32
      %dma_wait3A_164 = tpu.memref_slice %arg4[%dma_wait3A_162, %dma_wait3A_163] : memref<819200x128xf32, #tpu.memory_space<hbm>> -> memref<256x128xf32, #tpu.memory_space<hbm>>
      %dma_wait3A_165 = arith.constant 0 : i32
      %dma_wait3A_166 = arith.constant 0 : i32
      %dma_wait3A_167 = tpu.memref_slice %arg7[%dma_wait3A_165, %dma_wait3A_166] : memref<768x128xf32, #tpu.memory_space<vmem>> -> memref<256x128xf32, #tpu.memory_space<vmem>>
      tpu.wait_dma2 semaphore(%arg12 : memref<!tpu.dma_semaphore, #tpu.memory_space<semaphore_mem>>) src(%dma_wait3A_167 : memref<256x128xf32, #tpu.memory_space<vmem>>) dst(%dma_wait3A_164 : memref<256x128xf32, #tpu.memory_space<hbm>>)
      %dma_wait3A_168 = arith.constant 0 : i32
      %dma_wait3A_169 = arith.constant 0 : i32
      %dma_wait3A_170 = tpu.memref_slice %arg7[%dma_wait3A_168, %dma_wait3A_169] : memref<768x128xf32, #tpu.memory_space<vmem>> -> memref<256x128xf32, #tpu.memory_space<vmem>>
      %dma_wait3A_171 = arith.constant 0 : i32
      %dma_wait3A_172 = arith.constant 0 : i32
      %dma_wait3A_173 = tpu.memref_slice %arg4[%dma_wait3A_171, %dma_wait3A_172] : memref<819200x128xf32, #tpu.memory_space<hbm>> -> memref<256x128xf32, #tpu.memory_space<hbm>>
      %dma_wait3A_174 = arith.constant 0 : i32
      %dma_wait3A_175 = arith.constant 0 : i32
      %dma_wait3A_176 = tpu.memref_slice %arg4[%dma_wait3A_174, %dma_wait3A_175] : memref<819200x128xf32, #tpu.memory_space<hbm>> -> memref<256x128xf32, #tpu.memory_space<hbm>>
      %dma_wait3A_177 = arith.constant 0 : i32
      %dma_wait3A_178 = arith.constant 0 : i32
      %dma_wait3A_179 = tpu.memref_slice %arg7[%dma_wait3A_177, %dma_wait3A_178] : memref<768x128xf32, #tpu.memory_space<vmem>> -> memref<256x128xf32, #tpu.memory_space<vmem>>
      tpu.wait_dma2 semaphore(%arg11 : memref<!tpu.dma_semaphore, #tpu.memory_space<semaphore_mem>>) src(%dma_wait3A_179 : memref<256x128xf32, #tpu.memory_space<vmem>>) dst(%dma_wait3A_176 : memref<256x128xf32, #tpu.memory_space<hbm>>)
    }
    %scan3A_11 = arith.constant 2 : i32
    return
  }
}

</mosaic_0001>

<sc_bundles>
// kernel: kernel.3.cloned.1.call-start
scs
__scs_entry_jumppad:
0x0: {  	(pc) =	sbr.rel $0x88, $3  }
0x1: {  	(tag) =	ssettag $0x0;
	lr =	simm.s32 $0x1  }
0x2: {  	[smem:$0x3F9F] =	sst lr;
	_ =	strace $0xD0000000  }
0x3: {  	_ = 	snop  }
0x4: {  	_ = 	snop  }
0x5: {  	_ = 	snop  }
0x6: {  	_ = 	snop  }
0x7: {  	_ = 	snop  }
__scs_overlays_trampoline_lowered:
0x8: {  	[smem:$0x3FAE] =	sst s0  }
0x9: {  	[smem:$0x3FAF] =	sst s1  }
0xa: {  	[smem:$0x3FB0] =	sst s2  }
0xb: {  	[smem:$0x3FB1] =	sst s3  }
0xc: {  	[smem:$0x3FB2] =	sst s4  }
0xd: {  	[smem:$0x3FB3] =	sst s5  }
0xe: {  	[smem:$0x3FB4] =	sst s6  }
0xf: {  	[smem:$0x3FB5] =	sst s7  }
0x10: {  	[smem:$0x3FB6] =	sst s8  }
0x11: {  	[smem:$0x3FB7] =	sst s9;
	s0 =	simm.s32 @!p0 $0x0  }
0x12: {  	s1 =	sld [smem:$0x3F9D];
	s0 =	simm.s32 @p0 $0x1  }
0x13: {  	[smem:$0x3FB8] =	sst s0;
	s0 =	simm.s32 @!p1 $0x0  }
0x14: {  	s2 =	sld [smem:$0x3F9C];
	s0 =	simm.s32 @p1 $0x1  }
0x15: {  	[smem:$0x3FB9] =	sst s0;
	s0 =	simm.s32 @!p2 $0x0  }
0x16: {  	s3 =	sld [smem:$0x3FDB];
	s0 =	simm.s32 @p2 $0x1  }
0x17: {  	s4 =	simm.s32 $0x1BF5;
	[smem:$0x3FBB] =	sst s0  }
0x18: {  	s0 =	sld [smem:$0x3F9E];
	_ =	swait.ge [sflag:s4], $0x0  }
0x19: {  	s7 =	sld [smem:$0x3F9F]  }
0x1a: {  	s8 =	sadd.s32 $0xFFFFE003, lr  }
0x1b: {  	s9 =	sadd.s32 $0xFFFFFEF7, lr;
	s5 =	simm.s32 $0xFFFFFFFF;
	p2 =	slt.u32 s8, $0xFFFFF086  }
0x1c: {  	p1 =	slt.u32 s9, $0xF7A;
	s5 =	simm.s32 @!p2 $0x0  }
0x1d: {  	s5 =	simm.s32 @p1 $0x1;
	p0 =	seq.s32 s7, s2  }
0x1e: {  	s7 =	smul.u32 @!p0 $0xF7A, s2;
	p2 =	seq.s32 @!p0 s5, $0x0  }
0x1f: {  	s9 =	smul.u32 $0xF7A, s1;
	s8 =	simm.s32 @!p0 $0x1BF5;
	p2 =	por !p2, p0  }
0x20: {  	[sflag:s8] =	ssyncset.s32 @!p0 $0xFFFFF086;
	s6 =	sadd.s32 @!p0 s3, s7;
	s7 =	simm.s32 @!p0 $0x108  }
0x21: {  	s3 =	sadd.s32 s3, s9;
	s6 =	sadd.s32 @!p0 $0x88, s6;
	s7 =	simm.s32 @p2 $0x1082  }
0x22: {  	[simem:s7], [sflag:s8] =	dma.local @!p0 [hbm:s6], $0xF7A  }
0x23: {  	s9 =	sor.u32 $0xD0000000, s2;
	s6 =	simm.s32 $0x108;
	_ =	swait.ge @!p0 [sflag:s8], $0x0  }
0x24: {  	s3 =	sadd.s32 $0x88, s3;
	s6 =	simm.s32 @!p1 $0x1082;
	[sflag:s4] =	ssyncset.s32 $0xFFFFF086  }
0x25: {  	[simem:s6], [sflag:s4] =	dma.local [hbm:s3], $0xF7A  }
0x26: {  	[smem:$0x3F9F] =	sst s1;
	(tag) =	ssettag s2;
	_ =	strace s9  }
0x27: {  	s1 =	sld [smem:$0x3FAF]  }
0x28: {  	s2 =	sld [smem:$0x3FB0]  }
0x29: {  	s4 =	sld [smem:$0x3FB2]  }
0x2a: {  	p0 =	seq.s32 s5, $0x0;
	s5 =	sld [smem:$0x3FB3]  }
0x2b: {  	s6 =	sld [smem:$0x3FB4]  }
0x2c: {  	s7 =	sld [smem:$0x3FB5]  }
0x2d: {  	s3 =	simm.s32 $0x108;
	s8 =	sld [smem:$0x3FB6]  }
0x2e: {  	s3 =	simm.s32 @!p0 $0x1082;
	s9 =	sld [smem:$0x3FB7]  }
0x2f: {  	lr =	sadd.s32 s0, s3;
	s0 =	sld [smem:$0x3FAE]  }
0x30: {  	s3 =	sld [smem:$0x3FB1]  }
0x31: {  	[smem:$0x3FBA] =	sst s10  }
0x32: {  	s10 =	sld [smem:$0x3FB8];
	_ =	sdelay $0x3  }
0x33: {  	p0 =	seq.s32 s10, $0x1;
	s10 =	sld [smem:$0x3FBA];
	_ =	sdelay $0x3  }
0x34: {  	[smem:$0x3FBA] =	sst s10  }
0x35: {  	s10 =	sld [smem:$0x3FB9];
	_ =	sdelay $0x3  }
0x36: {  	p1 =	seq.s32 s10, $0x1;
	s10 =	sld [smem:$0x3FBA];
	_ =	sdelay $0x3  }
0x37: {  	[smem:$0x3FBA] =	sst s10  }
0x38: {  	s10 =	sld [smem:$0x3FBB]  }
0x39: {  	_ = 	snop;
	(pc) =	sbr.ind lr, $3  }
0x3a: {  	_ = 	snop  }
0x3b: {  	_ = 	snop  }
0x3c: {  	p2 =	seq.s32 s10, $0x1;
	s10 =	sld [smem:$0x3FBA]  }
0x3d: {  	_ =	shalt  }
0x3e: {  	_ =	shalt  }
0x3f: {  	_ =	shalt  }
0x40: {  	_ =	shalt  }
0x41: {  	_ =	shalt  }
0x42: {  	_ =	shalt  }
0x43: {  	_ =	shalt  }
0x44: {  	_ =	shalt  }
0x45: {  	_ =	shalt  }
0x46: {  	_ =	shalt  }
0x47: {  	_ =	shalt  }
0x48: {  	_ =	shalt  }
0x49: {  	_ =	shalt  }
0x4a: {  	_ =	shalt  }
0x4b: {  	_ =	shalt  }
0x4c: {  	_ =	shalt  }
0x4d: {  	_ =	shalt  }
0x4e: {  	_ =	shalt  }
0x4f: {  	_ =	shalt  }
0x50: {  	_ =	shalt  }
0x51: {  	_ =	shalt  }
0x52: {  	_ =	shalt  }
0x53: {  	_ =	shalt  }
0x54: {  	_ =	shalt  }
0x55: {  	_ =	shalt  }
0x56: {  	_ =	shalt  }
0x57: {  	_ =	shalt  }
0x58: {  	_ =	shalt  }
0x59: {  	_ =	shalt  }
0x5a: {  	_ =	shalt  }
0x5b: {  	_ =	shalt  }
0x5c: {  	_ =	shalt  }
0x5d: {  	_ =	shalt  }
0x5e: {  	_ =	shalt  }
0x5f: {  	_ =	shalt  }
0x60: {  	_ =	shalt  }
0x61: {  	_ =	shalt  }
0x62: {  	_ =	shalt  }
0x63: {  	_ =	shalt  }
0x64: {  	_ =	shalt  }
0x65: {  	_ =	shalt  }
0x66: {  	_ =	shalt  }
0x67: {  	_ =	shalt  }
0x68: {  	_ =	shalt  }
0x69: {  	_ =	shalt  }
0x6a: {  	_ =	shalt  }
0x6b: {  	_ =	shalt  }
0x6c: {  	_ =	shalt  }
0x6d: {  	_ =	shalt  }
0x6e: {  	_ =	shalt  }
0x6f: {  	_ =	shalt  }
0x70: {  	_ =	shalt  }
0x71: {  	_ =	shalt  }
0x72: {  	_ =	shalt  }
0x73: {  	_ =	shalt  }
0x74: {  	_ =	shalt  }
0x75: {  	_ =	shalt  }
0x76: {  	_ =	shalt  }
0x77: {  	_ =	shalt  }
0x78: {  	_ =	shalt  }
0x79: {  	_ =	shalt  }
0x7a: {  	_ =	shalt  }
0x7b: {  	_ =	shalt  }
0x7c: {  	_ =	shalt  }
0x7d: {  	_ =	shalt  }
0x7e: {  	_ =	shalt  }
0x7f: {  	_ =	shalt  }
0x80: {  	_ =	shalt  }
0x81: {  	_ =	shalt  }
0x82: {  	_ =	shalt  }
0x83: {  	_ =	shalt  }
0x84: {  	_ =	shalt  }
0x85: {  	_ =	shalt  }
0x86: {  	_ =	shalt  }
0x87: {  	_ =	shalt  }
.Lfunc_end0:
.L_simem_size_0:
called_computation.2_lowered:
.L_overlay_start_0:
0x88: {  	s2 =	sld [smem:$0x3FD9]  }
0x89: {  	s3 =	sld [smem:$0x3FFE];
	_ =	sdelay $0x1  }
0x8a: {  	s1 =	srdreg.scid  }
0x8b: {  	s0 =	sand.u32 $0x1, s1  }
0x8c: {  	s16 =	sshll.u32 s0, $0xA;
	s2 =	sadd.s32 s3, s2  }
0x8d: {  	s2 =	sadd.s32 s2, s16  }
0x8e: {  	[smem:$0x3FC6] =	sst s2  }
0x8f: {  	_ = 	snop  }
0x90: {  	(tm) =	ssettm $0x1  }
0x91: {  	s17 =	sld [smem:$0x3FFB];
	_ =	sdelay $0x3  }
0x92: {  	_ =	strace s17  }
0x93: {  	s2 =	sld [smem:$0x3FFC];
	_ =	sdelay $0x3  }
0x94: {  	_ =	strace s2  }
0x95: {  	s2 =	sld [smem:$0x3FFD];
	_ =	sdelay $0x3  }
0x96: {  	_ =	strace s2  }
0x97: {  	_ =	strace $0x8FFFFFFF  }
0x98: {  	s18 =	sld [smem:$0x3FDB];
	_ =	sdelay $0x1  }
0x99: {  	s19 =	simm.s32 $_scs_section_size  }
0x9a: {  	s4 =	simm.s32 $_size__tile_overlayer_lowered;
	s5 =	simm.s32 $_tile_overlayer_lowered  }
0x9b: {  	s22 =	simm.s32 $0x1BFF;
	s21 =	sshll.u32 s5, $0x1;
	s2 =	sadd.s32 s19, s18  }
0x9c: {  	s6 =	simm.s32 $0x0;
	s20 =	sshll.u32 s4, $0x1;
	s4 =	sadd.s32 s21, s2  }
0x9d: {  	[timem:s6], [sflag:s22] =	dma.local [hbm:s4], s20  }
0x9e: {  	_ =	swait.ge [sflag:s22], s20  }
0x9f: {  	s3 =	ssub.s32 $0x0, s20;
	[sflag:s22] =	ssyncset.done $0x0  }
0xa0: {  	[sflag:s22] =	ssyncadd.s32 s3;
	_ =	sdelay $0x1  }
0xa1: {  	s23 =	simm.s32 $0x1B8B  }
0xa2: {  	_ =	swait.ge [sflag:s23], $0x1  }
0xa3: {  	[sflag:s23] =	ssyncset.done $0x0  }
0xa4: {  	s25 =	simm.s32 $0x1B8E;
	s24 =	sld [smem:$0x3FFE];
	[sflag:s23] =	ssyncadd.s32 $0xFFFFFFFF  }
0xa5: {  	s26 =	simm.s32 $execute0_lowered;
	[smem:$0x3FD2] =	sst s25  }
0xa6: {  	s4 =	sshll.u32 s26, $0x1;
	_ =	strace $0x80000046;
	[dreg:$0x1] =	wrdreg $0xFFFFFFFF  }
0xa7: {  	s28 =	simm.s32 $_size_execute0_lowered;
	s2 =	sadd.s32 s2, s4;
	[dreg:$0x0] =	wrdreg $0x0  }
0xa8: {  	s4 =	sshll.u32 s28, $0x1;
	[dreg:$0x2] =	wrdreg s2  }
0xa9: {  	[dreg:$0x3] =	wrdreg s4  }
0xaa: {  	[dreg:$0x4] =	wrdreg $0xC0  }
0xab: {  	_ =	task [dreg:s6], $0x5FFFF  }
0xac: {  	[dreg:$0x1] =	wrdreg $0xFFFFFFFF  }
0xad: {  	[dreg:$0x0] =	wrdreg $0x60  }
0xae: {  	[dreg:$0x2] =	wrdreg s24  }
0xaf: {  	[dreg:$0x3] =	wrdreg $0xA  }
0xb0: {  	_ =	task.clear_ibuf [dreg:s6], $0x4FFFF;
	_ =	strace $0x90000046  }
0xb1: {  	s29 =	simm.s32 $0xA;
	_ =	strace $0x80000048  }
0xb2: {  	_ =	swait.ge [sflag:s29], $0x1  }
0xb3: {  	[sflag:s29] =	ssyncadd.s32 $0xFFFFFFFF  }
0xb4: {  	_ =	strace $0x90000048  }
0xb5: {  	_ =	sfence  }
0xb6: {  	s30 =	sld [smem:$0x0];
	_ =	sdelay $0x2  }
0xb7: {  	s31 =	sshll.u32 s1, $0xD;
	s1 =	sshrl.u32 s1, $0x2  }
0xb8: {  	s3 =	sand.u32 $0x4000, s31;
	s1 =	sadd.s32 s1, s30  }
0xb9: {  	s0 =	sor.u32 s3, s0;
	s1 =	sshll.u32 s1, $0x11  }
0xba: {  	s0 =	sor.u32 s1, s0  }
0xbb: {  	s0 =	sadd.s32 $0x8F2B, s0  }
0xbc: {  	[sflag:s0] =	ssyncadd.remote.s32 $0x1  }
0xbd: {  	_ =	sfence.sel $0xFFFF  }
0xbe: {  	[dreg:$0x0] =	wrdreg $0xFFFFFFFF;
	(pc) =	sbr.abs _section_cstart, $3  }
0xbf: {  	[dreg:$0x1] =	wrdreg $0xFFFFFFFF  }
0xc0: {  	_ =	task.clear_ibuf [dreg:s6], $0x2FFFF;
	_ =	strace $0x9FFFFFFF  }
0xc1: {  	(tm) =	ssettm $0x7FFFFFFF  }
tec
execute0_lowered:
.L_overlay_start_1:
0x0: {  	(tag) =	ssettag $0x1  }
0x1: {  	s0 =	rddreg [dreg:$0x0];
	s1 =	simm.s32 $0x0  }
0x2: {  	s2 =	srdreg.scid;
	s6 =	stileid.u32;
	s28 =	simm.s32 $0x900  }
0x3: {  	s29 =	simm.s32 $0x8B00;
	s30 =	simm.s32 $0x980;
	s31 =	simm.s32 $0xCB00  }
0x4: {  	[smem:$0x7FF] =	sst s1;
	s2 =	sand.u32 $0x1, s2;
	s4 =	sadd.s32 $0xF43000, s0  }
0x5: {  	s11 =	sadd.s32 $0x40C00, s0;
	_ =	strace $0x80000047;
	[dreg:$0x2] =	wrdreg s4  }
0x6: {  	s3 =	sadd.s32 $0xF5F000, s0;
	s12 =	sadd.s32 $0x80C00, s0;
	[dreg:$0x3] =	wrdreg s11  }
0x7: {  	s7 =	sadd.s32 $0xC00, s0;
	s13 =	sadd.s32 $0x100C00, s0;
	[dreg:$0x4] =	wrdreg s12  }
0x8: {  	s10 =	sshll.u32 s6, $0x9;
	s15 =	sadd.s32 $0x140C00, s0;
	[dreg:$0x5] =	wrdreg s13  }
0x9: {  	s16 =	sadd.s32 $0x180C00, s0;
	s17 =	sadd.s32 $0xC0C00, s0;
	[dreg:$0x6] =	wrdreg s15  }
0xa: {  	s18 =	sadd.s32 $0x1C0C00, s0;
	s19 =	sadd.s32 $0xF5B000, s0;
	[dreg:$0x7] =	wrdreg s16  }
0xb: {  	s0 =	sadd.s32 $0xC00C00, s0;
	s9 =	ssub.s32 $0x2, s2;
	[dreg:$0x8] =	wrdreg s17  }
0xc: {  	s2 =	sshll.u32 s2, $0x8;
	[dreg:$0x9] =	wrdreg s18;
	s13 =	smov.u32 s7  }
0xd: {  	s15 =	simm.s32 $0xA80;
	s16 =	simm.s32 $0x14B00;
	s17 =	simm.s32 $0x2  }
0xe: {  	s18 =	simm.s32 $0x5;
	s5 =	sshrl.u32 s9, $0x1;
	s14 =	sor.u32 s2, s10  }
0xf: {  	s4 =	ssub.s32 s9, s5;
	s21 =	sshll.u32 s14, $0x4;
	s22 =	sadd.s32 s14, s19  }
0x10: {  	s1 =	smov.u32 s14;
	s6 =	sor.u32 $0x2000, s14;
	s14 =	simm.s32 $0x10B00  }
0x11: {  	s5 =	simm.s32 $0x0;
	s20 =	smax.u32 s4, $0x1;
	[dreg:$0xb] =	wrdreg s22  }
0x12: {  	s23 =	sadd.s32 s21, s7;
	s4 =	sadd.s32 s21, s0;
	s25 =	sshll.u32 s6, $0x4  }
0x13: {  	s2 =	sadd.s32 s6, s19;
	s21 =	simm.s32 $0x6;
	[dreg:$0xa] =	wrdreg s20  }
0x14: {  	s22 =	simm.s32 $0x80;
	s19 =	simm.s32 $0x3;
	[dreg:$0xc] =	wrdreg s4  }
0x15: {  	s24 =	sadd.s32 $0xC40000, s23;
	[dreg:$0xe] =	wrdreg s2;
	s0 =	sadd.s32 s25, s0  }
0x16: {  	s26 =	sadd.s32 s25, s7;
	s23 =	simm.s32 $0x800;
	s25 =	simm.s32 $0x880  }
0x17: {  	s2 =	simm.s32 $0xA00;
	s20 =	simm.s32 $0x4;
	[dreg:$0xd] =	wrdreg s24  }
0x18: {  	[dreg:$0xf] =	wrdreg s0;
	s0 =	sadd.s32 $0xC40000, s26;
	s24 =	simm.s32 $0xB00  }
0x19: {  	s26 =	simm.s32 $0x4B00;
	[dreg:$0x10] =	wrdreg s0;
	s0 =	simm.s32 $0x1  }
.LBB2_1:
0x1a: {  	[dreg:$0x11] =	wrdreg s5;
	s4 =	simm.s32 $0x0  }
.LBB2_2:
0x1b: {  	s5 =	sshrl.u32 s4, $0x1;
	s6 =	sshll.u32 s4, $0xD  }
0x1c: {  	s8 =	rddreg [dreg:$0x2];
	s6 =	sand.u32 $0x2000, s6;
	s7 =	sshll.u32 s5, $0xE  }
0x1d: {  	s6 =	sor.u32 s1, s6;
	s7 =	sadd.s32 s8, s7  }
0x1e: {  	s11 =	simm.s32 $0x0;
	s7 =	sadd.s32 s6, s7  }
0x1f: {  	[tilespmem:s11], [sflag:$0x6] =	stream.linear.gather [hbm4b:s7+s11], $0x800, $0x38;
	[tilespmem:$0x18B00] =	vst v63  }
0x20: {  	s12 =	sand.u32 $0x1000, s11;
	_ =	swait.ge [sflag:s21], $0x800  }
0x21: {  	s8 =	sand.u32 $0x70, s11;
	s7 =	sshrl.u32 s12, $0x2;
	[sflag:s21] =	ssyncset.done $0x0  }
0x22: {  	s7 =	sor.u32 s8, s7;
	[sflag:s21] =	ssyncadd.s32 $0xFFFFF800  }
0x23: {  	v0 =	vld [tilespmem:s7+$0x0];
	_ =	sdelay $0x4  }
0x24: {  	s10 =	simm.s32 $0x20;
	s8 =	simm.s32 $0x200;
	v0 =	vtrunc.f32 v0  }
0x25: {  	s11 =	simm.s32 $0x10;
	s9 =	sand.u32 $0x1000, s8;
	s7 =	simm.s32 $0x800;
	v0 =	vcvt.f32.s32 v0  }
.LBB2_3:
0x26: {  	p0 =	sne.s32 s10, $0xF0;
	s11 =	sand.u32 $0x70, s11;
	s9 =	sshrl.u32 s9, $0x2  }
0x27: {  	s9 =	sor.u32 s11, s9;
	[tilespmem:s7+$0x0] =	vst v0;
	s11 =	smov.u32 s10  }
0x28: {  	v0 =	vld [tilespmem:s9+$0x0];
	_ =	sdelay $0x1  }
.Ltmp0:
0x29: {  	(pc) =	sbr.rel @p0 .LBB2_3-.Ltmp0, $3  }
0x2a: {  	_ =	sdelay $0x1  }
0x2b: {  	s8 =	sadd.s32 $0x200, s8;
	v0 =	vtrunc.f32 v0  }
0x2c: {  	s10 =	sadd.s32 $0x10, s10;
	s7 =	sadd.s32 $0x10, s7;
	s9 =	sand.u32 $0x1000, s8;
	v0 =	vcvt.f32.s32 v0  }
0x2d: {  	s8 =	sand.u32 $0x70, s11;
	s9 =	sshrl.u32 s9, $0x2  }
0x2e: {  	s8 =	sor.u32 s8, s9;
	[tilespmem:s7+$0x0] =	vst v0  }
0x2f: {  	v0 =	vld [tilespmem:s8+$0x0];
	_ =	sdelay $0x4  }
0x30: {  	v0 =	vtrunc.f32 v0  }
0x31: {  	v0 =	vcvt.f32.s32 v0  }
0x32: {  	s10 =	simm.s32 $0x0;
	s9 =	sadd.s32 $0x10, s7  }
0x33: {  	s11 =	sand.u32 $0x70, s10;
	s12 =	sand.u32 $0x400, s10;
	[tilespmem:s9+$0x0] =	vst v0  }
0x34: {  	[tilespmem:s24], [sflag:$0x1] =	stream.indirect.gather [hbm4b:s3+s22], $0x80, s23, s22, $0xb8;
	[tilespmem:$0x18B00] =	vst v63  }
0x35: {  	s7 =	sor.u32 s11, s12  }
0x36: {  	[tilespmem:s26], [sflag:$0x1] =	stream.indirect.gather [hbm4b:s3+s22], $0x80, s25, s22, $0xb8;
	[tilespmem:$0x18B00] =	vst v63  }
0x37: {  	v0 =	vld [tilespmem:s7+$0x80];
	_ =	sdelay $0x4  }
0x38: {  	v0 =	vtrunc.f32 v0  }
0x39: {  	s11 =	sand.u32 $0xF0, s10;
	s8 =	simm.s32 $0x80;
	s7 =	simm.s32 $0x10;
	v0 =	vcvt.f32.s32 v0  }
0x3a: {  	s10 =	simm.s32 $0x20;
	s12 =	sand.u32 $0x400, s8;
	s9 =	sand.u32 $0x70, s7  }
.LBB2_5:
0x3b: {  	p0 =	sne.s32 s10, $0xF0;
	s9 =	sor.u32 s9, s12;
	[tilespmem:s11+$0x900] =	vst v0  }
0x3c: {  	v0 =	vld [tilespmem:s9+$0x80];
	_ =	sdelay $0x2  }
.Ltmp1:
0x3d: {  	(pc) =	sbr.rel @p0 .LBB2_5-.Ltmp1, $4  }
0x3e: {  	_ = 	snop  }
0x3f: {  	v0 =	vtrunc.f32 v0  }
0x40: {  	s11 =	sand.u32 $0xF0, s7;
	s8 =	sadd.s32 $0x80, s8;
	s7 =	smov.u32 s10;
	v0 =	vcvt.f32.s32 v0  }
0x41: {  	s10 =	sadd.s32 $0x10, s10;
	s9 =	sand.u32 $0x70, s7;
	s12 =	sand.u32 $0x400, s8  }
0x42: {  	s8 =	sor.u32 s9, s12;
	[tilespmem:s11+$0x900] =	vst v0  }
0x43: {  	v0 =	vld [tilespmem:s8+$0x80];
	_ =	sdelay $0x4  }
0x44: {  	v0 =	vtrunc.f32 v0  }
0x45: {  	v0 =	vcvt.f32.s32 v0  }
0x46: {  	s7 =	sand.u32 $0xF0, s7  }
0x47: {  	[tilespmem:s7+$0x900] =	vst v0  }
0x48: {  	[tilespmem:s29], [sflag:$0x2] =	stream.indirect.gather [hbm4b:s3+s22], $0x80, s28, s22, $0xb8;
	[tilespmem:$0x18B00] =	vst v63  }
0x49: {  	_ = 	snop  }
0x4a: {  	[tilespmem:s31], [sflag:$0x2] =	stream.indirect.gather [hbm4b:s3+s22], $0x80, s30, s22, $0xb8;
	[tilespmem:$0x18B00] =	vst v63  }
0x4b: {  	_ =	swait.ge [sflag:s0], $0x4000  }
0x4c: {  	[sflag:s0] =	ssyncset.done $0x0  }
0x4d: {  	s5 =	sshll.u32 s5, $0x15;
	[sflag:s0] =	ssyncadd.s32 $0xFFFFC000  }
0x4e: {  	s6 =	sshll.u32 s6, $0x4;
	s10 =	simm.s32 $0x0;
	_ =	swait.ge [sflag:s0], $0x4000  }
0x4f: {  	s5 =	sor.u32 s5, s6;
	s11 =	sand.u32 $0x70, s10;
	[sflag:s0] =	ssyncset.done $0x0  }
0x50: {  	s12 =	sand.u32 $0x400, s10;
	s6 =	sadd.s32 s13, s5;
	[sflag:s0] =	ssyncadd.s32 $0xFFFFC000  }
0x51: {  	[hbm4b:s6+s10] =	stream.linear.scatter [tilespmem:s24], [sflag:$0x5], $0x8000, $0x38;
	[tilespmem:$0x18B00] =	vst v63  }
0x52: {  	s6 =	sor.u32 s11, s12  }
0x53: {  	v0 =	vld [tilespmem:s6+$0x100];
	_ =	sdelay $0x4  }
0x54: {  	v0 =	vtrunc.f32 v0  }
0x55: {  	s8 =	simm.s32 $0x20;
	s7 =	simm.s32 $0x80;
	s6 =	simm.s32 $0x10;
	v0 =	vcvt.f32.s32 v0  }
0x56: {  	s10 =	sand.u32 $0xF0, s10;
	s11 =	sand.u32 $0x400, s7;
	s9 =	sand.u32 $0x70, s6  }
.LBB2_7:
0x57: {  	p0 =	sne.s32 s8, $0xF0;
	s9 =	sor.u32 s9, s11;
	[tilespmem:s10+$0xA00] =	vst v0  }
0x58: {  	v0 =	vld [tilespmem:s9+$0x100];
	_ =	sdelay $0x2  }
.Ltmp2:
0x59: {  	(pc) =	sbr.rel @p0 .LBB2_7-.Ltmp2, $4  }
0x5a: {  	_ = 	snop  }
0x5b: {  	v0 =	vtrunc.f32 v0  }
0x5c: {  	s10 =	sand.u32 $0xF0, s6;
	s7 =	sadd.s32 $0x80, s7;
	s6 =	smov.u32 s8;
	v0 =	vcvt.f32.s32 v0  }
0x5d: {  	s8 =	sadd.s32 $0x10, s8;
	s9 =	sand.u32 $0x70, s6;
	s11 =	sand.u32 $0x400, s7  }
0x5e: {  	s7 =	sor.u32 s9, s11;
	[tilespmem:s10+$0xA00] =	vst v0  }
0x5f: {  	v0 =	vld [tilespmem:s7+$0x100];
	_ =	sdelay $0x4  }
0x60: {  	v0 =	vtrunc.f32 v0  }
0x61: {  	v0 =	vcvt.f32.s32 v0  }
0x62: {  	s6 =	sand.u32 $0xF0, s6  }
0x63: {  	[tilespmem:s6+$0xA00] =	vst v0  }
0x64: {  	[tilespmem:s14], [sflag:$0x3] =	stream.indirect.gather [hbm4b:s3+s22], $0x80, s2, s22, $0xb8;
	[tilespmem:$0x18B00] =	vst v63  }
0x65: {  	_ = 	snop  }
0x66: {  	[tilespmem:s16], [sflag:$0x3] =	stream.indirect.gather [hbm4b:s3+s22], $0x80, s15, s22, $0xb8;
	[tilespmem:$0x18B00] =	vst v63  }
0x67: {  	_ =	swait.ge [sflag:s17], $0x4000  }
0x68: {  	[sflag:s17] =	ssyncset.done $0x0  }
0x69: {  	[sflag:s17] =	ssyncadd.s32 $0xFFFFC000  }
0x6a: {  	_ =	swait.ge [sflag:s17], $0x4000  }
0x6b: {  	[sflag:s17] =	ssyncset.done $0x0;
	s10 =	rddreg [dreg:$0x3]  }
0x6c: {  	s11 =	simm.s32 $0x0;
	[sflag:s17] =	ssyncadd.s32 $0xFFFFC000;
	s6 =	sadd.s32 s5, s10  }
0x6d: {  	[hbm4b:s6+s11] =	stream.linear.scatter [tilespmem:s29], [sflag:$0x4], $0x8000, $0x38;
	[tilespmem:$0x18B00] =	vst v63  }
0x6e: {  	s12 =	sand.u32 $0x1000, s11;
	_ =	swait.ge [sflag:s18], $0x8000  }
0x6f: {  	s7 =	sand.u32 $0x70, s11;
	s6 =	sshrl.u32 s12, $0x2;
	[sflag:s18] =	ssyncset.done $0x0  }
0x70: {  	s6 =	sor.u32 s7, s6;
	[sflag:s18] =	ssyncadd.s32 $0xFFFF8000  }
0x71: {  	v0 =	vld [tilespmem:s6+$0x180];
	_ =	sdelay $0x4  }
0x72: {  	s8 =	simm.s32 $0x20;
	s7 =	simm.s32 $0x200;
	v0 =	vtrunc.f32 v0  }
0x73: {  	s10 =	simm.s32 $0x10;
	s9 =	sand.u32 $0x1000, s7;
	s6 =	simm.s32 $0x800;
	v0 =	vcvt.f32.s32 v0  }
.LBB2_9:
0x74: {  	p0 =	sne.s32 s8, $0xF0;
	s10 =	sand.u32 $0x70, s10;
	s9 =	sshrl.u32 s9, $0x2  }
0x75: {  	s9 =	sor.u32 s10, s9;
	[tilespmem:s6+$0x0] =	vst v0;
	s10 =	smov.u32 s8  }
0x76: {  	v0 =	vld [tilespmem:s9+$0x180];
	_ =	sdelay $0x1  }
.Ltmp3:
0x77: {  	(pc) =	sbr.rel @p0 .LBB2_9-.Ltmp3, $3  }
0x78: {  	_ =	sdelay $0x1  }
0x79: {  	s7 =	sadd.s32 $0x200, s7;
	v0 =	vtrunc.f32 v0  }
0x7a: {  	s8 =	sadd.s32 $0x10, s8;
	s6 =	sadd.s32 $0x10, s6;
	s9 =	sand.u32 $0x1000, s7;
	v0 =	vcvt.f32.s32 v0  }
0x7b: {  	s7 =	sand.u32 $0x70, s10;
	s8 =	sshrl.u32 s9, $0x2  }
0x7c: {  	s7 =	sor.u32 s7, s8;
	[tilespmem:s6+$0x0] =	vst v0  }
0x7d: {  	v0 =	vld [tilespmem:s7+$0x180];
	_ =	sdelay $0x4  }
0x7e: {  	v0 =	vtrunc.f32 v0  }
0x7f: {  	v0 =	vcvt.f32.s32 v0  }
0x80: {  	s8 =	sadd.s32 $0x10, s6  }
0x81: {  	[tilespmem:s8+$0x0] =	vst v0  }
0x82: {  	[tilespmem:s24], [sflag:$0x1] =	stream.indirect.gather [hbm4b:s3+s22], $0x80, s23, s22, $0xb8;
	[tilespmem:$0x18B00] =	vst v63  }
0x83: {  	_ = 	snop  }
0x84: {  	[tilespmem:s26], [sflag:$0x1] =	stream.indirect.gather [hbm4b:s3+s22], $0x80, s25, s22, $0xb8;
	[tilespmem:$0x18B00] =	vst v63  }
0x85: {  	_ =	swait.ge [sflag:s19], $0x4000  }
0x86: {  	[sflag:s19] =	ssyncset.done $0x0  }
0x87: {  	[sflag:s19] =	ssyncadd.s32 $0xFFFFC000  }
0x88: {  	_ =	swait.ge [sflag:s19], $0x4000  }
0x89: {  	[sflag:s19] =	ssyncset.done $0x0;
	s9 =	rddreg [dreg:$0x4]  }
0x8a: {  	s10 =	simm.s32 $0x0;
	[sflag:s19] =	ssyncadd.s32 $0xFFFFC000;
	s6 =	sadd.s32 s5, s9  }
0x8b: {  	[hbm4b:s6+s10] =	stream.linear.scatter [tilespmem:s14], [sflag:$0x5], $0x8000, $0x38;
	[tilespmem:$0x18B00] =	vst v63  }
0x8c: {  	_ =	swait.ge [sflag:s20], $0x8000  }
0x8d: {  	s11 =	sand.u32 $0x70, s10;
	s12 =	sand.u32 $0x400, s10;
	[sflag:s20] =	ssyncset.done $0x0  }
0x8e: {  	s6 =	sor.u32 s11, s12;
	[sflag:s20] =	ssyncadd.s32 $0xFFFF8000  }
0x8f: {  	v0 =	vld [tilespmem:s6+$0x200];
	_ =	sdelay $0x4  }
0x90: {  	v0 =	vtrunc.f32 v0  }
0x91: {  	s7 =	simm.s32 $0x80;
	s8 =	simm.s32 $0x20;
	s6 =	simm.s32 $0x10;
	v0 =	vcvt.f32.s32 v0  }
0x92: {  	s10 =	sand.u32 $0xF0, s10;
	s11 =	sand.u32 $0x400, s7;
	s9 =	sand.u32 $0x70, s6  }
.LBB2_11:
0x93: {  	p0 =	sne.s32 s8, $0xF0;
	s9 =	sor.u32 s9, s11;
	[tilespmem:s10+$0x900] =	vst v0  }
0x94: {  	v0 =	vld [tilespmem:s9+$0x200];
	_ =	sdelay $0x2  }
.Ltmp4:
0x95: {  	(pc) =	sbr.rel @p0 .LBB2_11-.Ltmp4, $4  }
0x96: {  	_ = 	snop  }
0x97: {  	v0 =	vtrunc.f32 v0  }
0x98: {  	s10 =	sand.u32 $0xF0, s6;
	s7 =	sadd.s32 $0x80, s7;
	s6 =	smov.u32 s8;
	v0 =	vcvt.f32.s32 v0  }
0x99: {  	s8 =	sadd.s32 $0x10, s8;
	s9 =	sand.u32 $0x70, s6;
	s11 =	sand.u32 $0x400, s7  }
0x9a: {  	s7 =	sor.u32 s9, s11;
	[tilespmem:s10+$0x900] =	vst v0  }
0x9b: {  	v0 =	vld [tilespmem:s7+$0x200];
	_ =	sdelay $0x4  }
0x9c: {  	v0 =	vtrunc.f32 v0  }
0x9d: {  	v0 =	vcvt.f32.s32 v0  }
0x9e: {  	s6 =	sand.u32 $0xF0, s6  }
0x9f: {  	[tilespmem:s6+$0x900] =	vst v0  }
0xa0: {  	[tilespmem:s29], [sflag:$0x2] =	stream.indirect.gather [hbm4b:s3+s22], $0x80, s28, s22, $0xb8;
	[tilespmem:$0x18B00] =	vst v63  }
0xa1: {  	_ = 	snop  }
0xa2: {  	[tilespmem:s31], [sflag:$0x2] =	stream.indirect.gather [hbm4b:s3+s22], $0x80, s30, s22, $0xb8;
	[tilespmem:$0x18B00] =	vst v63  }
0xa3: {  	_ =	swait.ge [sflag:s0], $0x4000  }
0xa4: {  	[sflag:s0] =	ssyncset.done $0x0  }
0xa5: {  	[sflag:s0] =	ssyncadd.s32 $0xFFFFC000  }
0xa6: {  	_ =	swait.ge [sflag:s0], $0x4000  }
0xa7: {  	[sflag:s0] =	ssyncset.done $0x0;
	s10 =	rddreg [dreg:$0x8]  }
0xa8: {  	s11 =	simm.s32 $0x0;
	[sflag:s0] =	ssyncadd.s32 $0xFFFFC000;
	s6 =	sadd.s32 s5, s10  }
0xa9: {  	[hbm4b:s6+s11] =	stream.linear.scatter [tilespmem:s24], [sflag:$0x4], $0x8000, $0x38;
	[tilespmem:$0x18B00] =	vst v63  }
0xaa: {  	_ =	swait.ge [sflag:s18], $0x8000  }
0xab: {  	s12 =	sand.u32 $0x70, s11;
	s8 =	sand.u32 $0x400, s11;
	[sflag:s18] =	ssyncset.done $0x0  }
0xac: {  	s6 =	sor.u32 s12, s8;
	[sflag:s18] =	ssyncadd.s32 $0xFFFF8000  }
0xad: {  	v0 =	vld [tilespmem:s6+$0x280];
	_ =	sdelay $0x4  }
0xae: {  	v0 =	vtrunc.f32 v0  }
0xaf: {  	s7 =	simm.s32 $0x80;
	s10 =	sand.u32 $0xF0, s11;
	s6 =	simm.s32 $0x10;
	v0 =	vcvt.f32.s32 v0  }
0xb0: {  	s11 =	sand.u32 $0x400, s7;
	s8 =	simm.s32 $0x20;
	s9 =	sand.u32 $0x70, s6  }
.LBB2_13:
0xb1: {  	p0 =	sne.s32 s8, $0xF0;
	s9 =	sor.u32 s9, s11;
	[tilespmem:s10+$0xA00] =	vst v0  }
0xb2: {  	v0 =	vld [tilespmem:s9+$0x280];
	_ =	sdelay $0x2  }
.Ltmp5:
0xb3: {  	(pc) =	sbr.rel @p0 .LBB2_13-.Ltmp5, $4  }
0xb4: {  	_ = 	snop  }
0xb5: {  	v0 =	vtrunc.f32 v0  }
0xb6: {  	s10 =	sand.u32 $0xF0, s6;
	s7 =	sadd.s32 $0x80, s7;
	s6 =	smov.u32 s8;
	v0 =	vcvt.f32.s32 v0  }
0xb7: {  	s8 =	sadd.s32 $0x10, s8;
	s9 =	sand.u32 $0x70, s6;
	s11 =	sand.u32 $0x400, s7  }
0xb8: {  	s7 =	sor.u32 s9, s11;
	[tilespmem:s10+$0xA00] =	vst v0  }
0xb9: {  	v0 =	vld [tilespmem:s7+$0x280];
	_ =	sdelay $0x4  }
0xba: {  	v0 =	vtrunc.f32 v0  }
0xbb: {  	v0 =	vcvt.f32.s32 v0  }
0xbc: {  	s6 =	sand.u32 $0xF0, s6  }
0xbd: {  	[tilespmem:s6+$0xA00] =	vst v0  }
0xbe: {  	[tilespmem:s14], [sflag:$0x3] =	stream.indirect.gather [hbm4b:s3+s22], $0x80, s2, s22, $0xb8;
	[tilespmem:$0x18B00] =	vst v63  }
0xbf: {  	_ = 	snop  }
0xc0: {  	[tilespmem:s16], [sflag:$0x3] =	stream.indirect.gather [hbm4b:s3+s22], $0x80, s15, s22, $0xb8;
	[tilespmem:$0x18B00] =	vst v63  }
0xc1: {  	_ =	swait.ge [sflag:s17], $0x4000  }
0xc2: {  	[sflag:s17] =	ssyncset.done $0x0  }
0xc3: {  	[sflag:s17] =	ssyncadd.s32 $0xFFFFC000  }
0xc4: {  	_ =	swait.ge [sflag:s17], $0x4000  }
0xc5: {  	[sflag:s17] =	ssyncset.done $0x0;
	s10 =	rddreg [dreg:$0x5]  }
0xc6: {  	s11 =	simm.s32 $0x0;
	[sflag:s17] =	ssyncadd.s32 $0xFFFFC000;
	s6 =	sadd.s32 s5, s10  }
0xc7: {  	[hbm4b:s6+s11] =	stream.linear.scatter [tilespmem:s29], [sflag:$0x5], $0x8000, $0x38;
	[tilespmem:$0x18B00] =	vst v63  }
0xc8: {  	s12 =	sand.u32 $0x1000, s11;
	_ =	swait.ge [sflag:s20], $0x8000  }
0xc9: {  	s7 =	sand.u32 $0x70, s11;
	s6 =	sshrl.u32 s12, $0x2;
	[sflag:s20] =	ssyncset.done $0x0  }
0xca: {  	s6 =	sor.u32 s7, s6;
	[sflag:s20] =	ssyncadd.s32 $0xFFFF8000  }
0xcb: {  	v0 =	vld [tilespmem:s6+$0x300];
	_ =	sdelay $0x4  }
0xcc: {  	s8 =	simm.s32 $0x20;
	s7 =	simm.s32 $0x200;
	v0 =	vtrunc.f32 v0  }
0xcd: {  	s10 =	simm.s32 $0x10;
	s9 =	sand.u32 $0x1000, s7;
	s6 =	simm.s32 $0x800;
	v0 =	vcvt.f32.s32 v0  }
.LBB2_15:
0xce: {  	p0 =	sne.s32 s8, $0xF0;
	s10 =	sand.u32 $0x70, s10;
	s9 =	sshrl.u32 s9, $0x2  }
0xcf: {  	s9 =	sor.u32 s10, s9;
	[tilespmem:s6+$0x0] =	vst v0;
	s10 =	smov.u32 s8  }
0xd0: {  	v0 =	vld [tilespmem:s9+$0x300];
	_ =	sdelay $0x1  }
.Ltmp6:
0xd1: {  	(pc) =	sbr.rel @p0 .LBB2_15-.Ltmp6, $3  }
0xd2: {  	_ =	sdelay $0x1  }
0xd3: {  	s7 =	sadd.s32 $0x200, s7;
	v0 =	vtrunc.f32 v0  }
0xd4: {  	s8 =	sadd.s32 $0x10, s8;
	s6 =	sadd.s32 $0x10, s6;
	s9 =	sand.u32 $0x1000, s7;
	v0 =	vcvt.f32.s32 v0  }
0xd5: {  	s7 =	sand.u32 $0x70, s10;
	s8 =	sshrl.u32 s9, $0x2  }
0xd6: {  	s7 =	sor.u32 s7, s8;
	[tilespmem:s6+$0x0] =	vst v0  }
0xd7: {  	v0 =	vld [tilespmem:s7+$0x300];
	_ =	sdelay $0x4  }
0xd8: {  	v0 =	vtrunc.f32 v0  }
0xd9: {  	v0 =	vcvt.f32.s32 v0  }
0xda: {  	s9 =	sadd.s32 $0x10, s6  }
0xdb: {  	[tilespmem:s9+$0x0] =	vst v0  }
0xdc: {  	[tilespmem:s24], [sflag:$0x1] =	stream.indirect.gather [hbm4b:s3+s22], $0x80, s23, s22, $0xb8;
	[tilespmem:$0x18B00] =	vst v63  }
0xdd: {  	_ = 	snop  }
0xde: {  	[tilespmem:s26], [sflag:$0x1] =	stream.indirect.gather [hbm4b:s3+s22], $0x80, s25, s22, $0xb8;
	[tilespmem:$0x18B00] =	vst v63  }
0xdf: {  	_ =	swait.ge [sflag:s19], $0x4000  }
0xe0: {  	[sflag:s19] =	ssyncset.done $0x0  }
0xe1: {  	[sflag:s19] =	ssyncadd.s32 $0xFFFFC000  }
0xe2: {  	_ =	swait.ge [sflag:s19], $0x4000  }
0xe3: {  	[sflag:s19] =	ssyncset.done $0x0;
	s10 =	rddreg [dreg:$0x6]  }
0xe4: {  	s11 =	simm.s32 $0x0;
	[sflag:s19] =	ssyncadd.s32 $0xFFFFC000;
	s6 =	sadd.s32 s5, s10  }
0xe5: {  	[hbm4b:s6+s11] =	stream.linear.scatter [tilespmem:s14], [sflag:$0x4], $0x8000, $0x38;
	[tilespmem:$0x18B00] =	vst v63  }
0xe6: {  	_ =	swait.ge [sflag:s18], $0x8000  }
0xe7: {  	s12 =	sor.u32 s11, s11;
	[sflag:s18] =	ssyncset.done $0x0  }
0xe8: {  	s6 =	sor.u32 $0x380, s12;
	[sflag:s18] =	ssyncadd.s32 $0xFFFF8000  }
0xe9: {  	v0 =	vld [tilespmem:s6+$0x0];
	_ =	sdelay $0x4  }
0xea: {  	v0 =	vtrunc.f32 v0  }
0xeb: {  	s7 =	simm.s32 $0x80;
	s6 =	simm.s32 $0x10;
	v0 =	vcvt.f32.s32 v0  }
0xec: {  	s8 =	simm.s32 $0x20;
	s10 =	sand.u32 $0xF0, s11;
	s9 =	sor.u32 s7, s6  }
.LBB2_17:
0xed: {  	p0 =	sne.s32 s8, $0xF0;
	s9 =	sor.u32 $0x380, s9;
	[tilespmem:s10+$0x900] =	vst v0;
	s10 =	smov.u32 s6  }
0xee: {  	s6 =	smov.u32 s8;
	v0 =	vld [tilespmem:s9+$0x0];
	_ =	sdelay $0x2  }
.Ltmp7:
0xef: {  	(pc) =	sbr.rel @p0 .LBB2_17-.Ltmp7, $4  }
0xf0: {  	_ = 	snop  }
0xf1: {  	v0 =	vtrunc.f32 v0  }
0xf2: {  	s7 =	sadd.s32 $0x80, s7;
	v0 =	vcvt.f32.s32 v0  }
0xf3: {  	s8 =	sadd.s32 $0x10, s8;
	s9 =	sor.u32 s7, s6;
	s10 =	sand.u32 $0xF0, s10  }
0xf4: {  	s7 =	sor.u32 $0x380, s9;
	[tilespmem:s10+$0x900] =	vst v0  }
0xf5: {  	v0 =	vld [tilespmem:s7+$0x0];
	_ =	sdelay $0x4  }
0xf6: {  	v0 =	vtrunc.f32 v0  }
0xf7: {  	v0 =	vcvt.f32.s32 v0  }
0xf8: {  	s6 =	sand.u32 $0xF0, s6  }
0xf9: {  	[tilespmem:s6+$0x900] =	vst v0  }
0xfa: {  	[tilespmem:s29], [sflag:$0x2] =	stream.indirect.gather [hbm4b:s3+s22], $0x80, s28, s22, $0xb8;
	[tilespmem:$0x18B00] =	vst v63  }
0xfb: {  	_ = 	snop  }
0xfc: {  	[tilespmem:s31], [sflag:$0x2] =	stream.indirect.gather [hbm4b:s3+s22], $0x80, s30, s22, $0xb8;
	[tilespmem:$0x18B00] =	vst v63  }
0xfd: {  	_ =	swait.ge [sflag:s0], $0x4000  }
0xfe: {  	[sflag:s0] =	ssyncset.done $0x0  }
0xff: {  	[sflag:s0] =	ssyncadd.s32 $0xFFFFC000  }
0x100: {  	_ =	swait.ge [sflag:s0], $0x4000  }
0x101: {  	[sflag:s0] =	ssyncset.done $0x0;
	s9 =	rddreg [dreg:$0x7]  }
0x102: {  	s10 =	simm.s32 $0x0;
	[sflag:s0] =	ssyncadd.s32 $0xFFFFC000;
	s6 =	sadd.s32 s5, s9  }
0x103: {  	[hbm4b:s6+s10] =	stream.linear.scatter [tilespmem:s24], [sflag:$0x5], $0x8000, $0x38;
	[tilespmem:$0x18B00] =	vst v63  }
0x104: {  	_ =	swait.ge [sflag:s17], $0x4000  }
0x105: {  	[sflag:s17] =	ssyncset.done $0x0  }
0x106: {  	[sflag:s17] =	ssyncadd.s32 $0xFFFFC000  }
0x107: {  	_ =	swait.ge [sflag:s17], $0x4000  }
0x108: {  	[sflag:s17] =	ssyncset.done $0x0;
	s11 =	rddreg [dreg:$0x9]  }
0x109: {  	[sflag:s17] =	ssyncadd.s32 $0xFFFFC000;
	s12 =	sadd.s32 s5, s11  }
0x10a: {  	[hbm4b:s12+s10] =	stream.linear.scatter [tilespmem:s29], [sflag:$0x4], $0x8000, $0x38;
	[tilespmem:$0x18B00] =	vst v63  }
0x10b: {  	_ =	swait.ge [sflag:s20], $0x8000  }
0x10c: {  	[sflag:s20] =	ssyncset.done $0x0  }
0x10d: {  	s4 =	sadd.s32 $0x1, s4;
	[sflag:s20] =	ssyncadd.s32 $0xFFFF8000  }
0x10e: {  	p0 =	sne.s32 s4, $0xC;
	_ =	swait.ge [sflag:s18], $0x8000  }
.Ltmp8:
0x10f: {  	[sflag:s18] =	ssyncset.done $0x0;
	(pc) =	sbr.rel @p0 .LBB2_2-.Ltmp8, $4  }
0x110: {  	[sflag:s18] =	ssyncadd.s32 $0xFFFF8000  }
0x111: {  	_ =	swait.ge [sflag:s20], $0x8000  }
0x112: {  	[sflag:s20] =	ssyncset.done $0x0  }
0x113: {  	[sflag:s20] =	ssyncadd.s32 $0xFFFF8000  }
0x114: {  	s4 =	simm.s32 $0x0;
	s5 =	rddreg [dreg:$0xb]  }
0x115: {  	[tilespmem:s4], [sflag:$0x6] =	stream.linear.gather [hbm4b:s5+s4], $0x800, $0x38;
	[tilespmem:$0x18B00] =	vst v63  }
0x116: {  	s12 =	sand.u32 $0x1000, s4;
	_ =	swait.ge [sflag:s21], $0x800  }
0x117: {  	s4 =	sand.u32 $0x70, s4;
	s5 =	sshrl.u32 s12, $0x2;
	[sflag:s21] =	ssyncset.done $0x0  }
0x118: {  	s4 =	sor.u32 s4, s5;
	[sflag:s21] =	ssyncadd.s32 $0xFFFFF800  }
0x119: {  	v0 =	vld [tilespmem:s4+$0x0];
	_ =	sdelay $0x4  }
0x11a: {  	s7 =	simm.s32 $0x10;
	s5 =	simm.s32 $0x200;
	v0 =	vtrunc.f32 v0  }
0x11b: {  	s6 =	simm.s32 $0x20;
	s8 =	sand.u32 $0x1000, s5;
	s4 =	simm.s32 $0x800;
	v0 =	vcvt.f32.s32 v0  }
.LBB2_20:
0x11c: {  	p0 =	sne.s32 s6, $0xF0;
	s7 =	sand.u32 $0x70, s7;
	s8 =	sshrl.u32 s8, $0x2  }
0x11d: {  	s8 =	sor.u32 s7, s8;
	[tilespmem:s4+$0x0] =	vst v0;
	s7 =	smov.u32 s6  }
0x11e: {  	v0 =	vld [tilespmem:s8+$0x0];
	_ =	sdelay $0x1  }
.Ltmp9:
0x11f: {  	(pc) =	sbr.rel @p0 .LBB2_20-.Ltmp9, $3  }
0x120: {  	_ =	sdelay $0x1  }
0x121: {  	s5 =	sadd.s32 $0x200, s5;
	v0 =	vtrunc.f32 v0  }
0x122: {  	s6 =	sadd.s32 $0x10, s6;
	s4 =	sadd.s32 $0x10, s4;
	s8 =	sand.u32 $0x1000, s5;
	v0 =	vcvt.f32.s32 v0  }
0x123: {  	s5 =	sand.u32 $0x70, s7;
	s6 =	sshrl.u32 s8, $0x2  }
0x124: {  	s5 =	sor.u32 s5, s6;
	[tilespmem:s4+$0x0] =	vst v0  }
0x125: {  	v0 =	vld [tilespmem:s5+$0x0];
	_ =	sdelay $0x4  }
0x126: {  	v0 =	vtrunc.f32 v0  }
0x127: {  	v0 =	vcvt.f32.s32 v0  }
0x128: {  	s9 =	sadd.s32 $0x10, s4;
	s10 =	simm.s32 $0x0  }
0x129: {  	s11 =	sand.u32 $0x70, s10;
	s12 =	sand.u32 $0x400, s10;
	[tilespmem:s9+$0x0] =	vst v0  }
0x12a: {  	[tilespmem:s24], [sflag:$0x1] =	stream.indirect.gather [hbm4b:s3+s22], $0x80, s23, s22, $0xb8;
	[tilespmem:$0x18B00] =	vst v63  }
0x12b: {  	s4 =	sor.u32 s11, s12  }
0x12c: {  	[tilespmem:s26], [sflag:$0x1] =	stream.indirect.gather [hbm4b:s3+s22], $0x80, s25, s22, $0xb8;
	[tilespmem:$0x18B00] =	vst v63  }
0x12d: {  	v0 =	vld [tilespmem:s4+$0x80];
	_ =	sdelay $0x4  }
0x12e: {  	v0 =	vtrunc.f32 v0  }
0x12f: {  	s7 =	sand.u32 $0xF0, s10;
	s5 =	simm.s32 $0x80;
	s4 =	simm.s32 $0x10;
	v0 =	vcvt.f32.s32 v0  }
0x130: {  	s6 =	simm.s32 $0x20;
	s9 =	sand.u32 $0x400, s5;
	s8 =	sand.u32 $0x70, s4  }
.LBB2_22:
0x131: {  	p0 =	sne.s32 s6, $0xF0;
	s8 =	sor.u32 s8, s9;
	[tilespmem:s7+$0x900] =	vst v0  }
0x132: {  	v0 =	vld [tilespmem:s8+$0x80];
	_ =	sdelay $0x2  }
.Ltmp10:
0x133: {  	(pc) =	sbr.rel @p0 .LBB2_22-.Ltmp10, $4  }
0x134: {  	_ = 	snop  }
0x135: {  	v0 =	vtrunc.f32 v0  }
0x136: {  	s7 =	sand.u32 $0xF0, s4;
	s5 =	sadd.s32 $0x80, s5;
	s4 =	smov.u32 s6;
	v0 =	vcvt.f32.s32 v0  }
0x137: {  	s6 =	sadd.s32 $0x10, s6;
	s8 =	sand.u32 $0x70, s4;
	s9 =	sand.u32 $0x400, s5  }
0x138: {  	s5 =	sor.u32 s8, s9;
	[tilespmem:s7+$0x900] =	vst v0  }
0x139: {  	v0 =	vld [tilespmem:s5+$0x80];
	_ =	sdelay $0x4  }
0x13a: {  	v0 =	vtrunc.f32 v0  }
0x13b: {  	v0 =	vcvt.f32.s32 v0  }
0x13c: {  	s4 =	sand.u32 $0xF0, s4  }
0x13d: {  	[tilespmem:s4+$0x900] =	vst v0  }
0x13e: {  	[tilespmem:s29], [sflag:$0x2] =	stream.indirect.gather [hbm4b:s3+s22], $0x80, s28, s22, $0xb8;
	[tilespmem:$0x18B00] =	vst v63  }
0x13f: {  	_ = 	snop  }
0x140: {  	[tilespmem:s31], [sflag:$0x2] =	stream.indirect.gather [hbm4b:s3+s22], $0x80, s30, s22, $0xb8;
	[tilespmem:$0x18B00] =	vst v63  }
0x141: {  	_ =	swait.ge [sflag:s0], $0x4000  }
0x142: {  	[sflag:s0] =	ssyncset.done $0x0  }
0x143: {  	[sflag:s0] =	ssyncadd.s32 $0xFFFFC000  }
0x144: {  	_ =	swait.ge [sflag:s0], $0x4000  }
0x145: {  	[sflag:s0] =	ssyncset.done $0x0  }
0x146: {  	s8 =	simm.s32 $0x0;
	s9 =	rddreg [dreg:$0xc];
	[sflag:s0] =	ssyncadd.s32 $0xFFFFC000  }
0x147: {  	[hbm4b:s9+s8] =	stream.linear.scatter [tilespmem:s24], [sflag:$0x5], $0x8000, $0x38;
	[tilespmem:$0x18B00] =	vst v63  }
0x148: {  	_ =	swait.ge [sflag:s17], $0x4000  }
0x149: {  	[sflag:s17] =	ssyncset.done $0x0  }
0x14a: {  	[sflag:s17] =	ssyncadd.s32 $0xFFFFC000  }
0x14b: {  	_ =	swait.ge [sflag:s17], $0x4000  }
0x14c: {  	[sflag:s17] =	ssyncset.done $0x0  }
0x14d: {  	s10 =	rddreg [dreg:$0xd];
	[sflag:s17] =	ssyncadd.s32 $0xFFFFC000  }
0x14e: {  	[hbm4b:s10+s8] =	stream.linear.scatter [tilespmem:s29], [sflag:$0x4], $0x8000, $0x38;
	[tilespmem:$0x18B00] =	vst v63  }
0x14f: {  	_ =	swait.ge [sflag:s18], $0x8000  }
0x150: {  	[sflag:s18] =	ssyncset.done $0x0  }
0x151: {  	[sflag:s18] =	ssyncadd.s32 $0xFFFF8000  }
0x152: {  	_ =	swait.ge [sflag:s20], $0x8000  }
0x153: {  	[sflag:s20] =	ssyncset.done $0x0  }
0x154: {  	s11 =	rddreg [dreg:$0xe];
	[sflag:s20] =	ssyncadd.s32 $0xFFFF8000  }
0x155: {  	[tilespmem:s8], [sflag:$0x6] =	stream.linear.gather [hbm4b:s11+s8], $0x800, $0x38;
	[tilespmem:$0x18B00] =	vst v63  }
0x156: {  	s12 =	sand.u32 $0x1000, s8;
	_ =	swait.ge [sflag:s21], $0x800  }
0x157: {  	s5 =	sshrl.u32 s12, $0x2;
	s4 =	sand.u32 $0x70, s8;
	[sflag:s21] =	ssyncset.done $0x0  }
0x158: {  	s4 =	sor.u32 s4, s5;
	[sflag:s21] =	ssyncadd.s32 $0xFFFFF800  }
0x159: {  	v0 =	vld [tilespmem:s4+$0x0];
	_ =	sdelay $0x4  }
0x15a: {  	s7 =	simm.s32 $0x10;
	s5 =	simm.s32 $0x200;
	v0 =	vtrunc.f32 v0  }
0x15b: {  	s6 =	simm.s32 $0x20;
	s8 =	sand.u32 $0x1000, s5;
	s4 =	simm.s32 $0x800;
	v0 =	vcvt.f32.s32 v0  }
.LBB2_24:
0x15c: {  	p0 =	sne.s32 s6, $0xF0;
	s7 =	sand.u32 $0x70, s7;
	s8 =	sshrl.u32 s8, $0x2  }
0x15d: {  	s8 =	sor.u32 s7, s8;
	[tilespmem:s4+$0x0] =	vst v0;
	s7 =	smov.u32 s6  }
0x15e: {  	v0 =	vld [tilespmem:s8+$0x0];
	_ =	sdelay $0x1  }
.Ltmp11:
0x15f: {  	(pc) =	sbr.rel @p0 .LBB2_24-.Ltmp11, $3  }
0x160: {  	_ =	sdelay $0x1  }
0x161: {  	s5 =	sadd.s32 $0x200, s5;
	v0 =	vtrunc.f32 v0  }
0x162: {  	s6 =	sadd.s32 $0x10, s6;
	s4 =	sadd.s32 $0x10, s4;
	s8 =	sand.u32 $0x1000, s5;
	v0 =	vcvt.f32.s32 v0  }
0x163: {  	s5 =	sand.u32 $0x70, s7;
	s6 =	sshrl.u32 s8, $0x2  }
0x164: {  	s5 =	sor.u32 s5, s6;
	[tilespmem:s4+$0x0] =	vst v0  }
0x165: {  	v0 =	vld [tilespmem:s5+$0x0];
	_ =	sdelay $0x4  }
0x166: {  	v0 =	vtrunc.f32 v0  }
0x167: {  	v0 =	vcvt.f32.s32 v0  }
0x168: {  	s9 =	sadd.s32 $0x10, s4;
	s10 =	simm.s32 $0x0  }
0x169: {  	s11 =	sand.u32 $0x70, s10;
	s12 =	sand.u32 $0x400, s10;
	[tilespmem:s9+$0x0] =	vst v0  }
0x16a: {  	[tilespmem:s24], [sflag:$0x1] =	stream.indirect.gather [hbm4b:s3+s22], $0x80, s23, s22, $0xb8;
	[tilespmem:$0x18B00] =	vst v63  }
0x16b: {  	s4 =	sor.u32 s11, s12  }
0x16c: {  	[tilespmem:s26], [sflag:$0x1] =	stream.indirect.gather [hbm4b:s3+s22], $0x80, s25, s22, $0xb8;
	[tilespmem:$0x18B00] =	vst v63  }
0x16d: {  	v0 =	vld [tilespmem:s4+$0x80];
	_ =	sdelay $0x4  }
0x16e: {  	v0 =	vtrunc.f32 v0  }
0x16f: {  	s7 =	sand.u32 $0xF0, s10;
	s5 =	simm.s32 $0x80;
	s4 =	simm.s32 $0x10;
	v0 =	vcvt.f32.s32 v0  }
0x170: {  	s6 =	simm.s32 $0x20;
	s9 =	sand.u32 $0x400, s5;
	s8 =	sand.u32 $0x70, s4  }
.LBB2_26:
0x171: {  	p0 =	sne.s32 s6, $0xF0;
	s8 =	sor.u32 s8, s9;
	[tilespmem:s7+$0x900] =	vst v0  }
0x172: {  	v0 =	vld [tilespmem:s8+$0x80];
	_ =	sdelay $0x2  }
.Ltmp12:
0x173: {  	(pc) =	sbr.rel @p0 .LBB2_26-.Ltmp12, $4  }
0x174: {  	_ = 	snop  }
0x175: {  	v0 =	vtrunc.f32 v0  }
0x176: {  	s7 =	sand.u32 $0xF0, s4;
	s5 =	sadd.s32 $0x80, s5;
	s4 =	smov.u32 s6;
	v0 =	vcvt.f32.s32 v0  }
0x177: {  	s6 =	sadd.s32 $0x10, s6;
	s8 =	sand.u32 $0x70, s4;
	s9 =	sand.u32 $0x400, s5  }
0x178: {  	s5 =	sor.u32 s8, s9;
	[tilespmem:s7+$0x900] =	vst v0  }
0x179: {  	v0 =	vld [tilespmem:s5+$0x80];
	_ =	sdelay $0x4  }
0x17a: {  	v0 =	vtrunc.f32 v0  }
0x17b: {  	v0 =	vcvt.f32.s32 v0  }
0x17c: {  	s4 =	sand.u32 $0xF0, s4  }
0x17d: {  	[tilespmem:s4+$0x900] =	vst v0  }
0x17e: {  	[tilespmem:s29], [sflag:$0x2] =	stream.indirect.gather [hbm4b:s3+s22], $0x80, s28, s22, $0xb8;
	[tilespmem:$0x18B00] =	vst v63  }
0x17f: {  	_ = 	snop  }
0x180: {  	[tilespmem:s31], [sflag:$0x2] =	stream.indirect.gather [hbm4b:s3+s22], $0x80, s30, s22, $0xb8;
	[tilespmem:$0x18B00] =	vst v63  }
0x181: {  	_ =	swait.ge [sflag:s0], $0x4000  }
0x182: {  	[sflag:s0] =	ssyncset.done $0x0  }
0x183: {  	[sflag:s0] =	ssyncadd.s32 $0xFFFFC000  }
0x184: {  	_ =	swait.ge [sflag:s0], $0x4000  }
0x185: {  	[sflag:s0] =	ssyncset.done $0x0  }
0x186: {  	s8 =	simm.s32 $0x0;
	s9 =	rddreg [dreg:$0xf];
	[sflag:s0] =	ssyncadd.s32 $0xFFFFC000  }
0x187: {  	[hbm4b:s9+s8] =	stream.linear.scatter [tilespmem:s24], [sflag:$0x5], $0x8000, $0x38;
	[tilespmem:$0x18B00] =	vst v63  }
0x188: {  	_ =	swait.ge [sflag:s17], $0x4000  }
0x189: {  	[sflag:s17] =	ssyncset.done $0x0  }
0x18a: {  	[sflag:s17] =	ssyncadd.s32 $0xFFFFC000  }
0x18b: {  	_ =	swait.ge [sflag:s17], $0x4000  }
0x18c: {  	[sflag:s17] =	ssyncset.done $0x0  }
0x18d: {  	s10 =	rddreg [dreg:$0x10];
	[sflag:s17] =	ssyncadd.s32 $0xFFFFC000  }
0x18e: {  	[hbm4b:s10+s8] =	stream.linear.scatter [tilespmem:s29], [sflag:$0x4], $0x8000, $0x38;
	[tilespmem:$0x18B00] =	vst v63  }
0x18f: {  	_ =	swait.ge [sflag:s18], $0x8000  }
0x190: {  	[sflag:s18] =	ssyncset.done $0x0  }
0x191: {  	[sflag:s18] =	ssyncadd.s32 $0xFFFF8000  }
0x192: {  	_ =	swait.ge [sflag:s20], $0x8000  }
0x193: {  	s11 =	rddreg [dreg:$0x11]  }
0x194: {  	s12 =	rddreg [dreg:$0xa];
	s5 =	sadd.s32 $0x1, s11  }
0x195: {  	p0 =	sne.s32 s5, s12  }
.Ltmp13:
0x196: {  	_ = 	snop;
	(pc) =	sbr.rel @p0 .LBB2_1-.Ltmp13, $3  }
0x197: {  	_ =	sdelay $0x1  }
0x198: {  	[sflag:s20] =	ssyncset.done $0x0  }
0x199: {  	[sflag:s20] =	ssyncadd.s32 $0xFFFF8000  }
0x19a: {  	_ =	sfence.sel $0x180000  }
0x19b: {  	[bflag:$0x0] =	sbarrier.arrive $0xFFFF  }
0x19c: {  	_ =	strace $0x90000047  }
0x19d: {  	s0 =	stileid.u32;
	[bflag:$0x2] =	sbarrier.arrive $0xFFFF  }
0x19e: {  	p0 =	sne.s32 s0, $0x0;
	s0 =	rddreg [dreg:$0x1]  }
0x19f: {  	s0 =	sadd.s32 @!p0 $0x100000, s0  }
0x1a0: {  	[sflag:s0] =	ssyncadd.tile.s32 @!p0 $0x1;
	_ =	shalt  }
.Lfunc_end2:
_tile_overlayer_lowered:
.L_overlay_start_2:
0x1a1: {  	(tag) =	ssettag $0x2  }
0x1a2: {  	s0 =	rddreg [dreg:$0x0];
	s2 =	stileid.u32  }
0x1a3: {  	s1 =	rddreg [dreg:$0x1];
	p0 =	sne.s32 s2, $0x0  }
0x1a4: {  	s3 =	rddreg [dreg:$0x2];
	[bflag:$0x3] =	sbarrier.arrive $0xFFFF;
	s2 =	simm.s32 @!p0 $0x1C06  }
0x1a5: {  	[timem:s3], [sflag:s2] =	dma.local @!p0 [hbm:s0], s1  }
0x1a6: {  	s0 =	simm.s32 @!p0 $0x6  }
0x1a7: {  	_ =	swait.ge @!p0 [sflag:s0], s1  }
0x1a8: {  	s1 =	ssub.s32 @!p0 $0x0, s1;
	[sflag:s0] =	ssyncset.done @!p0 $0x0  }
0x1a9: {  	[sflag:s0] =	ssyncadd.s32 @!p0 s1  }
0x1aa: {  	[bflag:$0x3] =	sbarrier.arrive $0xFFFF  }
0x1ab: {  	_ =	shalt  }

// kernel: sparse-core-data-format-call.1.cloned.1.call-start
scs
called_computation.1_lowered:
.L_overlay_start_0:
0x0: {  	s2 =	sld [smem:$0x3FD9]  }
0x1: {  	s3 =	sld [smem:$0x3FFE];
	_ =	sdelay $0x1  }
0x2: {  	s1 =	srdreg.scid  }
0x3: {  	s0 =	sand.u32 $0x1, s1  }
0x4: {  	s18 =	sshll.u32 s0, $0xA;
	s2 =	sadd.s32 s3, s2  }
0x5: {  	s2 =	sadd.s32 s2, s18  }
0x6: {  	[smem:$0x3FC6] =	sst s2  }
0x7: {  	_ = 	snop  }
0x8: {  	s19 =	sld [smem:$0x3FD0];
	(tm) =	ssettm $0x1  }
0x9: {  	s20 =	sld [smem:$0x3FFB];
	_ =	sdelay $0x3  }
0xa: {  	_ =	strace s20  }
0xb: {  	s2 =	sld [smem:$0x3FFC];
	_ =	sdelay $0x3  }
0xc: {  	_ =	strace s2  }
0xd: {  	s2 =	sld [smem:$0x3FFD];
	_ =	sdelay $0x3  }
0xe: {  	_ =	strace s2  }
0xf: {  	_ =	strace $0x8FFFFFFF  }
0x10: {  	s21 =	sld [smem:$0x3FDB];
	_ =	sdelay $0x1  }
0x11: {  	s4 =	simm.s32 $_scs_section_size  }
0x12: {  	s5 =	simm.s32 $_size__tile_overlayer_lowered;
	s6 =	simm.s32 $_tile_overlayer_lowered  }
0x13: {  	s7 =	simm.s32 $0x1BFF;
	s22 =	sshll.u32 s6, $0x1;
	s4 =	sadd.s32 s4, s21  }
0x14: {  	s23 =	simm.s32 $0x0;
	s5 =	sshll.u32 s5, $0x1;
	s6 =	sadd.s32 s22, s4  }
0x15: {  	[timem:s23], [sflag:s7] =	dma.local [hbm:s6], s5  }
0x16: {  	_ =	swait.ge [sflag:s7], s5  }
0x17: {  	s5 =	ssub.s32 $0x0, s5;
	[sflag:s7] =	ssyncset.done $0x0  }
0x18: {  	[sflag:s7] =	ssyncadd.s32 s5;
	_ =	sdelay $0x1  }
0x19: {  	s24 =	simm.s32 $0x1B8B  }
0x1a: {  	_ =	swait.ge [sflag:s24], $0x1  }
0x1b: {  	[sflag:s24] =	ssyncset.done $0x0  }
0x1c: {  	[sflag:s24] =	ssyncadd.s32 $0xFFFFFFFF  }
0x1d: {  	s5 =	sld [smem:$0x0]  }
0x1e: {  	s6 =	sand.u32 $0xFFFFFFFE, s1  }
0x1f: {  	p0 =	sne.s32 s1, s6  }
0x20: {  	s6 =	sshll.u32 @p0 s6, $0xE  }
0x21: {  	s6 =	sadd.s32 @p0 $0x11B8D, s6;
	s7 =	sshll.u32 @p0 s5, $0x11  }
0x22: {  	s6 =	sor.u32 @p0 s7, s6  }
0x23: {  	[sflag:s6] =	ssyncadd.remote.s32 @p0 $0x1;
	_ =	sdelay $0x1  }
0x24: {  	s6 =	simm.s32 @p0 $0x1B8D  }
0x25: {  	_ =	swait.eq @p0 [sflag:s6], $0x1  }
0x26: {  	[sflag:s6] =	ssyncadd.s32 @p0 $0xFFFFFFFF  }
0x27: {  	s7 =	sshll.u32 @!p0 s1, $0xE  }
0x28: {  	s7 =	sor.u32 @!p0 $0x4000, s7;
	s6 =	simm.s32 @!p0 $0x1B8D  }
0x29: {  	s5 =	sshll.u32 @!p0 s5, $0x11;
	s7 =	sadd.s32 @!p0 $0x11B8D, s7;
	_ =	swait.eq @!p0 [sflag:s6], $0x1  }
0x2a: {  	s5 =	sor.u32 @!p0 s5, s7;
	[sflag:s6] =	ssyncadd.s32 @!p0 $0xFFFFFFFF  }
0x2b: {  	s26 =	simm.s32 $0x1B8E;
	s25 =	sld [smem:$0x3FFE];
	[sflag:s5] =	ssyncadd.remote.s32 @!p0 $0x1  }
0x2c: {  	s27 =	simm.s32 $execute0_lowered;
	[smem:$0x3FD2] =	sst s26  }
0x2d: {  	s6 =	sshll.u32 s27, $0x1;
	_ =	strace $0x80000049;
	[dreg:$0x1] =	wrdreg $0xFFFFFFFF  }
0x2e: {  	s28 =	simm.s32 $_size_execute0_lowered;
	s4 =	sadd.s32 s4, s6;
	[dreg:$0x0] =	wrdreg $0x0  }
0x2f: {  	s6 =	sshll.u32 s28, $0x1;
	[dreg:$0x2] =	wrdreg s4  }
0x30: {  	[dreg:$0x3] =	wrdreg s6  }
0x31: {  	[dreg:$0x4] =	wrdreg $0xC0  }
0x32: {  	_ =	task [dreg:s23], $0x5FFFF  }
0x33: {  	[dreg:$0x1] =	wrdreg $0xFFFFFFFF  }
0x34: {  	[dreg:$0x0] =	wrdreg $0x60  }
0x35: {  	[dreg:$0x2] =	wrdreg s19  }
0x36: {  	[dreg:$0x3] =	wrdreg s25  }
0x37: {  	[dreg:$0x4] =	wrdreg $0x9  }
0x38: {  	_ =	task.clear_ibuf [dreg:s23], $0x5FFFF;
	_ =	strace $0x90000049  }
0x39: {  	s29 =	simm.s32 $0x9;
	_ =	strace $0x8000004B  }
0x3a: {  	_ =	swait.ge [sflag:s29], $0x1  }
0x3b: {  	[sflag:s29] =	ssyncadd.s32 $0xFFFFFFFF  }
0x3c: {  	_ =	strace $0x9000004B  }
0x3d: {  	_ =	sfence  }
0x3e: {  	s30 =	sld [smem:$0x0];
	_ =	sdelay $0x2  }
0x3f: {  	s31 =	sshll.u32 s1, $0xD;
	s1 =	sshrl.u32 s1, $0x2  }
0x40: {  	s4 =	sand.u32 $0x4000, s31;
	s1 =	sadd.s32 s1, s30  }
0x41: {  	s0 =	sor.u32 s4, s0;
	s1 =	sshll.u32 s1, $0x11  }
0x42: {  	s0 =	sor.u32 s1, s0  }
0x43: {  	s0 =	sadd.s32 $0x8F2B, s0  }
0x44: {  	[sflag:s0] =	ssyncadd.remote.s32 $0x1  }
0x45: {  	_ =	sfence.sel $0xFFFF  }
0x46: {  	[dreg:$0x0] =	wrdreg $0xFFFFFFFF;
	(pc) =	sbr.abs _section_cstart, $3  }
0x47: {  	[dreg:$0x1] =	wrdreg $0xFFFFFFFF  }
0x48: {  	_ =	task.clear_ibuf [dreg:s23], $0x2FFFF;
	_ =	strace $0x9FFFFFFF  }
0x49: {  	(tm) =	ssettm $0x7FFFFFFF  }
tec
execute0_lowered:
.L_overlay_start_1:
0x0: {  	(tag) =	ssettag $0x1  }
0x1: {  	s2 =	stileid.u32;
	s0 =	srdreg.scid  }
0x2: {  	s6 =	simm.s32 $0x1;
	s1 =	sshll.u32 s2, $0x7;
	s0 =	sshll.u32 s0, $0xB  }
0x3: {  	s7 =	rddreg [dreg:$0x1];
	s2 =	sshll.u32 s2, $0x3;
	s0 =	sor.u32 s1, s0  }
0x4: {  	s31 =	simm.s32 $0x2;
	s1 =	sand.u32 $0x8, s2;
	s2 =	sand.u32 $0xF00, s0  }
0x5: {  	s18 =	simm.s32 $0x0;
	s10 =	simm.s32 $0x0;
	s3 =	ssub.s32 $0x4000, s2  }
0x6: {  	s20 =	simm.s32 $0x0;
	s30 =	ssub.s32 $0x10, s1;
	s4 =	sand.u32 $0xF00, s3  }
0x7: {  	s5 =	sshrl.u32 s30, $0x4;
	s0 =	sshrl.u32 s30, $0x3;
	p0 =	sne.s32 s4, $0x0  }
0x8: {  	s0 =	sand.u32 $0x1, s0;
	s3 =	sshrl.u32 s3, $0xC;
	s6 =	simm.s32 @!p0 $0x0  }
0x9: {  	s19 =	simm.s32 $0x0;
	s0 =	sadd.s32 s5, s0;
	s3 =	sadd.s32 s6, s3  }
0xa: {  	s11 =	simm.s32 $0x0;
	s12 =	simm.s32 $0x0;
	s0 =	smul.u32 s3, s0  }
.Ltmp0:
0xb: {  	s13 =	simm.s32 $0x0;
	s15 =	simm.s32 $0x0;
	(pc) =	sbr.rel .LBB1_1-.Ltmp0, $4  }
0xc: {  	s17 =	simm.s32 $0x0;
	s26 =	simm.s32 $0x0;
	s4 =	rddreg [dreg:$0x0]  }
0xd: {  	_ =	strace $0x8000004A;
	s5 =	simm.s32 $0x1;
	s6 =	smul.u32 $0x7, s0  }
0xe: {  	s7 =	sadd.s32 $0xC80C00, s7;
	s16 =	smov.u32 s1;
	[sflag:s5] =	ssyncpa.u1 $0x0  }
0xf: {  	s14 =	smov.u32 s2;
	[sflag:s31] =	ssyncpa.u1 $0x0;
	s8 =	sadd.s32 $0x1, s6  }
.LBB1_7:
0x10: {  	p0 =	slt.u32 s17, $0x2  }
0x11: {  	s0 =	smov.u32 s20;
	p1 =	sgt.s32 @!p0 s20, $0x2A  }
0x12: {  	s9 =	smov.u32 s19;
	s3 =	sshra.s32 @!p0 s20, $0x1F;
	p1 =	por !p1, p0  }
0x13: {  	s3 =	sand.u32 @!p0 s3, s20;
	s0 =	simm.s32 @p1 $0x2A;
	p1 =	sgt.s32 @!p0 s19, $0x8  }
0x14: {  	s20 =	sshra.s32 @!p0 s19, $0x1F;
	p1 =	por !p1, p0;
	s0 =	ssub.s32 @!p0 s0, s3  }
0x15: {  	s3 =	sand.u32 @!p0 s20, s19;
	s9 =	simm.s32 @p1 $0x8;
	s19 =	sadd.s32 @!p0 $0xFFFFFFD6, s0  }
0x16: {  	p1 =	sgt.s32 @!p0 s18, $0x3F00;
	s3 =	ssub.s32 @!p0 s9, s3;
	p2 =	sgt.s32 @!p0 s19, $0x7  }
0x17: {  	p1 =	por !p1, p0;
	s19 =	smov.u32 s18;
	s9 =	sadd.s32 @!p0 $0xFFFFFFF8, s3  }
0x18: {  	s19 =	simm.s32 @p1 $0x3F00;
	p1 =	sgt.s32 @!p0 s9, $0x7;
	s9 =	sshra.s32 @!p0 s18, $0x1F  }
0x19: {  	s0 =	ssub.s32 @!p0 $0x32, s0;
	p2 =	por !p2, p0;
	s9 =	sand.u32 @!p0 s9, s18  }
0x1a: {  	s3 =	ssub.s32 @!p0 $0x10, s3;
	p1 =	por !p1, p0;
	s9 =	ssub.s32 @!p0 s19, s9  }
0x1b: {  	s0 =	simm.s32 @!p2 $0x0;
	s3 =	simm.s32 @!p1 $0x0;
	s18 =	sadd.s32 @!p0 $0xFFFFC100, s9  }
0x1c: {  	s21 =	smov.u32 s15;
	s0 =	smul.u32 @!p0 s3, s0;
	p1 =	sgt.s32 @!p0 s18, $0xFF  }
0x1d: {  	s3 =	ssub.s32 @!p0 $0x4000, s9;
	s9 =	sadd.s32 $0x1000, s14;
	p1 =	por !p1, p0  }
0x1e: {  	s18 =	sadd.s32 $0x8, s15;
	s3 =	simm.s32 @!p1 $0x0;
	p1 =	sgt.s32 s9, $0x3FFF  }
0x1f: {  	s22 =	smov.u32 s16;
	s21 =	smov.u32 @p1 s18  }
0x20: {  	s0 =	smul.u32 @!p0 s3, s0;
	s3 =	sadd.s32 $0x10, s16;
	p2 =	sgt.s32 s21, $0x31  }
0x21: {  	s10 =	sadd.s32 $0x4000, s10;
	s20 =	smov.u32 s12;
	s22 =	smov.u32 @p2 s3  }
0x22: {  	s12 =	smov.u32 s15;
	s9 =	smov.u32 @p1 s2;
	p1 =	sgt.s32 s22, $0xF  }
0x23: {  	s19 =	smov.u32 s13;
	s22 =	smov.u32 @p1 s1;
	p1 =	sne.s32 s17, s8  }
.Ltmp1:
0x24: {  	s13 =	smov.u32 s16;
	s18 =	smov.u32 s11;
	(pc) =	sbr.rel @!p1 .LBB1_8-.Ltmp1, $4  }
0x25: {  	s11 =	smov.u32 s14;
	s0 =	sand.u32 @!p0 $0x3FFFFFFF, s0;
	s3 =	simm.s32 @!p0 $0x2  }
0x26: {  	s14 =	smov.u32 s9;
	s21 =	simm.s32 @p2 $0x0;
	_ =	swait.ge @!p0 [sflag:s3], s0  }
0x27: {  	s0 =	ssub.s32 @!p0 $0x0, s0;
	s15 =	smov.u32 s21;
	[sflag:s3] =	ssyncset.done @!p0 $0x0  }
0x28: {  	s17 =	sadd.s32 $0x1, s17;
	[sflag:s3] =	ssyncadd.s32 @!p0 s0;
	s16 =	smov.u32 s22  }
.LBB1_1:
0x29: {  	p0 =	sge.u32 s17, s6  }
0x2a: {  	s0 =	sshll.u32 @!p0 s15, $0xE  }
0x2b: {  	s3 =	sshll.u32 @!p0 s14, $0x3;
	s0 =	sand.u32 @!p0 $0xFFFE0000, s0  }
0x2c: {  	s0 =	sadd.s32 @!p0 s0, s3  }
0x2d: {  	s31 =	sadd.s32 $0xFFFFFFFF, s17;
	s22 =	sshll.u32 @!p0 s15, $0x7;
	s0 =	sshrl.u32 @!p0 s0, $0xE  }
0x2e: {  	s23 =	sand.u32 @!p0 $0x78, s14;
	s22 =	sand.u32 @!p0 $0x380, s22;
	s21 =	smulhi.u32 @!p0 $0x4924925, s0  }
0x2f: {  	s9 =	sxor.u32 @!p0 $0xFFFFFFFF, s17;
	s22 =	sor.u32 @!p0 s22, s23;
	s23 =	smul.u32 @!p0 $0x1C000, s16  }
0x30: {  	s9 =	sshll.u32 @!p0 s9, $0xE;
	s3 =	sand.u32 @!p0 $0x3C00, s3;
	s21 =	smul.u32 @!p0 $0x38, s21  }
0x31: {  	s9 =	sand.u32 @!p0 $0x4000, s9;
	s3 =	sor.u32 @!p0 s3, s22;
	s22 =	sand.u32 @!p0 $0x7, s14  }
0x32: {  	s3 =	sshrl.u32 @!p0 s3, $0x3;
	s0 =	ssub.s32 @!p0 s0, s21;
	s21 =	sadd.s32 @!p0 s4, s23  }
0x33: {  	s0 =	sshll.u32 @!p0 s0, $0xB;
	s3 =	sadd.s32 @!p0 s3, s21;
	s21 =	sshll.u32 @!p0 s22, $0x12  }
0x34: {  	s0 =	sadd.s32 @!p0 s0, s3;
	s3 =	sor.u32 @!p0 $0x800, s21;
	s21 =	simm.s32 @!p0 $0xE0000  }
0x35: {  	[tilespmem:s9], [sflag:$0x1] =	stream.strided.gather @!p0 [hbm4b:s0+s3], $0x4000, s21, s3, $0x38;
	[tilespmem:$0x10000] =	vst v63  }
0x36: {  	p0 =	sge.u32 s31, s6  }
.Ltmp2:
0x37: {  	_ = 	snop;
	(pc) =	sbr.rel @p0 .LBB1_7-.Ltmp2, $1  }
0x38: {  	_ =	sdelay $0x3  }
0x39: {  	s0 =	sshll.u32 s10, $0x2;
	_ =	swait.ge [sflag:s5], $0x4000;
	s3 =	sshll.u32 s17, $0xE  }
0x3a: {  	p0 =	por $0x0, $0x0;
	s27 =	simm.s32 $0x0;
	s28 =	simm.s32 $0x0  }
0x3b: {  	s0 =	sand.u32 $0x10000, s0;
	[sflag:s5] =	ssyncset.done $0x0;
	s24 =	sand.u32 $0x4000, s3  }
0x3c: {  	s0 =	sshrl.u32 s0, $0x2;
	[sflag:s5] =	ssyncadd.s32 $0xFFFFC000;
	s21 =	sor.u32 $0x8000, s24  }
0x3d: {  	s22 =	sor.u32 $0x40, s0;
	s23 =	sor.u32 $0x8410, s0;
	s25 =	sadd.s32 $0x8400, s0  }
.LBB1_3:
0x3e: {  	v1 =	vld [tilespmem:s22+$0xFFFFFFD0]  }
0x3f: {  	v2 =	vld [tilespmem:s22+$0x430]  }
0x40: {  	s0 =	sshll.u32 s28, $0xB;
	v4 =	vld [tilespmem:s22+$0xFFFFFFE0]  }
0x41: {  	v7 =	vld [tilespmem:s22+$0xFFFFFFF0];
	v0 =	vmov s0  }
0x42: {  	v8 =	vld [tilespmem:s22+$0x0]  }
0x43: {  	s9 =	sand.u32 $0x300, s26;
	v9 =	vld [tilespmem:s22+$0x10]  }
0x44: {  	s3 =	sand.u32 $0x80, s26;
	v10 =	vld [tilespmem:s22+$0x20];
	s0 =	sadd.s32 s9, s24  }
0x45: {  	v11 =	vld [tilespmem:s22+$0x30];
	s0 =	sadd.s32 s3, s0;
	s3 =	simm.s32 $0x1;
	[tilespmem:s23+$0x60] =	vst v2  }
0x46: {  	s9 =	sshll.u32 s27, $0x2;
	s3 =	simm.s32 @!p0 $0x0;
	[tilespmem:s23+$0xFFFFFC00] =	vst v1;
	v3 =	vld.idx.msk [tilespmem:v0+s0+$0x400 ss:$0x1], $0xffff  }
0x47: {  	v6 =	vld [tilespmem:s22+$0x3D0];
	s3 =	sshll.u32 s3, $0x9;
	[tilespmem:s23+$0xFFFFFC10] =	vst v4;
	s0 =	sand.u32 $0xFFFFFC00, s9  }
0x48: {  	v5 =	vld [tilespmem:s22+$0x3E0];
	[tilespmem:s23+$0xFFFFFC20] =	vst v7;
	s0 =	sor.u32 s3, s0  }
0x49: {  	[tilespmem:s23+$0xFFFFFC30] =	vst v8;
	v4 =	vld [tilespmem:s22+$0x400];
	s0 =	sshrl.u32 s0, $0x2  }
0x4a: {  	[tilespmem:s23+$0xFFFFFC40] =	vst v9;
	v1 =	vld [tilespmem:s22+$0x410];
	s29 =	sadd.s32 s0, s25  }
0x4b: {  	[tilespmem:s29+$0x0] =	vst v3;
	v3 =	vld [tilespmem:s22+$0x3F0]  }
0x4c: {  	s30 =	sadd.s32 $0x80, s22;
	[tilespmem:s23+$0xFFFFFC50] =	vst v10;
	v2 =	vld [tilespmem:s22+$0x420];
	s0 =	simm.s32 $0x80  }
0x4d: {  	s31 =	smov.u32 s23;
	v7 =	vld [tilespmem:s22+$0xFFFFFFC0];
	[tilespmem:s23+$0xFFFFFC60] =	vst v11;
	s3 =	simm.s32 $0x100;
	s9 =	sand.u32 $0x300, s0  }
.LBB1_4:
0x4e: {  	p1 =	sne.s32 s3, $0x380;
	v8 =	vld [tilespmem:s30+$0xFFFFFFD0];
	s0 =	sand.u32 $0x80, s0;
	s9 =	sadd.s32 s9, s24;
	[tilespmem:s31+$0x0] =	vst v6  }
0x4f: {  	s9 =	sadd.s32 s0, s9;
	v6 =	vld [tilespmem:s30+$0x430];
	[tilespmem:s31+$0x10] =	vst v5;
	s0 =	smov.u32 s3  }
0x50: {  	v5 =	vld.idx.msk [tilespmem:v0+s9+$0x400 ss:$0x1], $0xffff;
	[tilespmem:s31+$0x20] =	vst v3  }
0x51: {  	v3 =	vld [tilespmem:s30+$0xFFFFFFE0];
	[tilespmem:s31+$0x30] =	vst v4  }
0x52: {  	v4 =	vld [tilespmem:s30+$0xFFFFFFF0];
	[tilespmem:s31+$0xFFFFFBF0] =	vst v7  }
0x53: {  	v7 =	vld [tilespmem:s30+$0x0];
	[tilespmem:s31+$0x40] =	vst v1  }
0x54: {  	v1 =	vld [tilespmem:s30+$0x10];
	[tilespmem:s31+$0x50] =	vst v2;
	s31 =	sadd.s32 $0x800, s31  }
0x55: {  	s29 =	sadd.s32 $0x800, s29;
	v2 =	vld [tilespmem:s30+$0x20];
	[tilespmem:s31+$0x60] =	vst v6  }
0x56: {  	v9 =	vld [tilespmem:s30+$0x30];
	[tilespmem:s29+$0x0] =	vst v5  }
0x57: {  	[tilespmem:s31+$0xFFFFFC00] =	vst v8;
	v6 =	vld [tilespmem:s30+$0x3D0]  }
0x58: {  	[tilespmem:s31+$0xFFFFFC10] =	vst v3;
	v5 =	vld [tilespmem:s30+$0x3E0]  }
.Ltmp3:
0x59: {  	[tilespmem:s31+$0xFFFFFC20] =	vst v4;
	v3 =	vld [tilespmem:s30+$0x3F0];
	(pc) =	sbr.rel @p1 .LBB1_4-.Ltmp3, $4  }
0x5a: {  	[tilespmem:s31+$0xFFFFFC30] =	vst v7;
	v4 =	vld [tilespmem:s30+$0x400]  }
0x5b: {  	[tilespmem:s31+$0xFFFFFC40] =	vst v1;
	v1 =	vld [tilespmem:s30+$0x410]  }
0x5c: {  	[tilespmem:s31+$0xFFFFFC50] =	vst v2;
	v2 =	vld [tilespmem:s30+$0x420]  }
0x5d: {  	s3 =	sadd.s32 $0x80, s3;
	s9 =	sand.u32 $0x300, s0;
	v7 =	vld [tilespmem:s30+$0xFFFFFFC0];
	[tilespmem:s31+$0xFFFFFC60] =	vst v9;
	s30 =	sadd.s32 $0x80, s30  }
0x5e: {  	[tilespmem:s31+$0x0] =	vst v6  }
0x5f: {  	[tilespmem:s31+$0x10] =	vst v5  }
0x60: {  	v49 =	vld [tilespmem:s30+$0x430];
	[tilespmem:s31+$0x20] =	vst v3  }
0x61: {  	v50 =	vld [tilespmem:s30+$0xFFFFFFD0];
	[tilespmem:s31+$0x30] =	vst v4  }
0x62: {  	v51 =	vld [tilespmem:s30+$0xFFFFFFE0];
	[tilespmem:s31+$0x40] =	vst v1  }
0x63: {  	v52 =	vld [tilespmem:s30+$0xFFFFFFF0];
	[tilespmem:s31+$0x50] =	vst v2  }
0x64: {  	s3 =	sadd.s32 s9, s24;
	s9 =	sadd.s32 $0x800, s31;
	v53 =	vld [tilespmem:s30+$0x0];
	[tilespmem:s31+$0xFFFFFBF0] =	vst v7  }
0x65: {  	v54 =	vld [tilespmem:s30+$0x10];
	[tilespmem:s9+$0x60] =	vst v49  }
0x66: {  	v55 =	vld [tilespmem:s30+$0x20];
	[tilespmem:s9+$0xFFFFFC00] =	vst v50  }
0x67: {  	v56 =	vld [tilespmem:s30+$0x30];
	[tilespmem:s9+$0xFFFFFC10] =	vst v51  }
0x68: {  	v57 =	vld [tilespmem:s30+$0x3D0];
	[tilespmem:s9+$0xFFFFFC20] =	vst v52  }
0x69: {  	v58 =	vld [tilespmem:s30+$0x3E0];
	[tilespmem:s9+$0xFFFFFC30] =	vst v53  }
0x6a: {  	v59 =	vld [tilespmem:s30+$0x3F0];
	[tilespmem:s9+$0xFFFFFC40] =	vst v54  }
0x6b: {  	v60 =	vld [tilespmem:s30+$0x400];
	[tilespmem:s9+$0xFFFFFC50] =	vst v55  }
0x6c: {  	v61 =	vld [tilespmem:s30+$0xFFFFFFC0];
	[tilespmem:s9+$0xFFFFFC60] =	vst v56  }
0x6d: {  	s0 =	sand.u32 $0x80, s0;
	v62 =	vld [tilespmem:s30+$0x410];
	[tilespmem:s9+$0x0] =	vst v57  }
0x6e: {  	v63 =	vld [tilespmem:s30+$0x420];
	s28 =	sadd.s32 $0x1, s28;
	s0 =	sadd.s32 s0, s3;
	[tilespmem:s9+$0x10] =	vst v58  }
0x6f: {  	p1 =	sne.s32 s28, $0x8;
	v0 =	vld.idx.msk [tilespmem:v0+s0+$0x400 ss:$0x1], $0xffff;
	[tilespmem:s9+$0x20] =	vst v59  }
.Ltmp4:
0x70: {  	[tilespmem:s9+$0x30] =	vst v60;
	(pc) =	sbr.rel @p1 .LBB1_3-.Ltmp4, $4  }
0x71: {  	[tilespmem:s9+$0xFFFFFBF0] =	vst v61  }
0x72: {  	[tilespmem:s9+$0x40] =	vst v62  }
0x73: {  	s22 =	sadd.s32 $0x800, s22;
	s31 =	sadd.s32 $0x800, s29;
	[tilespmem:s9+$0x50] =	vst v63  }
0x74: {  	s27 =	sadd.s32 $0x80, s27;
	p0 =	por !p0, !p0;
	s23 =	sadd.s32 $0x80, s23;
	[tilespmem:s31+$0x0] =	vst v0  }
0x75: {  	s0 =	sand.u32 $0x78, s11  }
0x76: {  	s3 =	sshll.u32 s13, $0x7;
	p0 =	sgt.s32 s12, $0x2A;
	s9 =	smov.u32 s12  }
0x77: {  	s22 =	sshra.s32 s12, $0x1F;
	s27 =	sshra.s32 s13, $0x1F;
	s28 =	sshra.s32 s11, $0x1F  }
0x78: {  	s24 =	sshll.u32 s13, $0xE;
	s29 =	sshll.u32 s11, $0x3;
	s3 =	sand.u32 $0x380, s3  }
0x79: {  	s9 =	simm.s32 @!p0 $0x2A;
	s25 =	sand.u32 s22, s12;
	p0 =	sgt.s32 s13, $0x8  }
0x7a: {  	s22 =	sand.u32 s27, s13;
	s24 =	sand.u32 $0x20000, s24;
	s31 =	sand.u32 $0x3C00, s29  }
0x7b: {  	s0 =	sor.u32 s3, s0;
	s3 =	ssub.s32 s9, s25;
	s9 =	smov.u32 s13  }
0x7c: {  	s25 =	sshll.u32 s12, $0xF;
	s23 =	sadd.s32 $0xFFFFFFD6, s3;
	s9 =	simm.s32 @!p0 $0x8  }
0x7d: {  	s3 =	ssub.s32 $0x32, s3;
	s0 =	sor.u32 s31, s0;
	s31 =	simm.s32 $0x40000  }
0x7e: {  	p0 =	sgt.s32 s23, $0x7;
	s9 =	ssub.s32 s9, s22;
	s23 =	smov.u32 s11  }
0x7f: {  	s3 =	simm.s32 @p0 $0x0;
	s22 =	sadd.s32 $0xFFFFFFF8, s9;
	p0 =	sgt.s32 s11, $0x3F00  }
0x80: {  	s23 =	simm.s32 @!p0 $0x3F00;
	p0 =	sgt.s32 s22, $0x7;
	s22 =	sand.u32 s28, s11  }
0x81: {  	s9 =	ssub.s32 $0x10, s9;
	s28 =	sand.u32 $0x7, s11;
	s22 =	ssub.s32 s23, s22  }
0x82: {  	s9 =	simm.s32 @p0 $0x0;
	s23 =	sadd.s32 s24, s29;
	s30 =	sadd.s32 $0xFFFFC100, s22  }
0x83: {  	s3 =	smul.u32 s9, s3;
	s22 =	ssub.s32 $0x4000, s22;
	p0 =	sgt.s32 s30, $0xFF  }
.Ltmp5:
0x84: {  	s27 =	sshrl.u32 s23, $0x3;
	s22 =	simm.s32 @p0 $0x0;
	(pc) =	sbr.rel .LBB1_7-.Ltmp5, $4  }
0x85: {  	s9 =	sadd.s32 s7, s25;
	s3 =	smul.u32 s22, s3;
	s22 =	sand.u32 $0x7800, s27  }
0x86: {  	s0 =	sshrl.u32 s0, $0x3;
	s29 =	sshll.u32 s28, $0x12;
	s9 =	sadd.s32 s22, s9  }
0x87: {  	s30 =	sor.u32 $0x800, s29;
	s3 =	sand.u32 $0x3FFFFFFF, s3;
	s0 =	sadd.s32 s0, s9  }
0x88: {  	[hbm4b:s0+s30] =	stream.strided.scatter [tilespmem:s21], [sflag:$0x2], s3, s31, s30, $0x38;
	[tilespmem:$0x10000] =	vst v63  }
.LBB1_8:
0x89: {  	_ =	sfence.sel $0x180000  }
0x8a: {  	s0 =	simm.s32 $0x1;
	[bflag:$0x0] =	sbarrier.arrive $0xFFFF  }
0x8b: {  	s30 =	simm.s32 $0x2;
	[sflag:s0] =	ssyncpa.u1 $0x1  }
0x8c: {  	[sflag:s30] =	ssyncpa.u1 $0x1  }
0x8d: {  	_ =	strace $0x9000004A  }
0x8e: {  	s31 =	stileid.u32;
	[bflag:$0x2] =	sbarrier.arrive $0xFFFF  }
0x8f: {  	p0 =	sne.s32 s31, $0x0;
	s0 =	rddreg [dreg:$0x2]  }
0x90: {  	s0 =	sadd.s32 @!p0 $0x100000, s0  }
0x91: {  	[sflag:s0] =	ssyncadd.tile.s32 @!p0 $0x1;
	_ =	shalt  }
.Lfunc_end1:
_tile_overlayer_lowered:
.L_overlay_start_2:
0x92: {  	(tag) =	ssettag $0x2  }
0x93: {  	s0 =	rddreg [dreg:$0x0];
	s2 =	stileid.u32  }
0x94: {  	s1 =	rddreg [dreg:$0x1];
	p0 =	sne.s32 s2, $0x0  }
0x95: {  	s3 =	rddreg [dreg:$0x2];
	[bflag:$0x3] =	sbarrier.arrive $0xFFFF;
	s2 =	simm.s32 @!p0 $0x1C01  }
0x96: {  	[timem:s3], [sflag:s2] =	dma.local @!p0 [hbm:s0], s1  }
0x97: {  	s0 =	simm.s32 @!p0 $0x1  }
0x98: {  	_ =	swait.ge @!p0 [sflag:s0], s1  }
0x99: {  	s1 =	ssub.s32 @!p0 $0x0, s1;
	[sflag:s0] =	ssyncset.done @!p0 $0x0  }
0x9a: {  	[sflag:s0] =	ssyncadd.s32 @!p0 s1  }
0x9b: {  	[bflag:$0x3] =	sbarrier.arrive $0xFFFF  }
0x9c: {  	_ =	shalt  }

// kernel: sparse-core-data-format-call.cloned.1.call-start
scs
called_computation_lowered:
.L_overlay_start_0:
0x0: {  	s2 =	sld [smem:$0x3FD9]  }
0x1: {  	s3 =	sld [smem:$0x3FFE];
	_ =	sdelay $0x1  }
0x2: {  	s1 =	srdreg.scid  }
0x3: {  	s0 =	sand.u32 $0x1, s1  }
0x4: {  	s18 =	sshll.u32 s0, $0xA;
	s2 =	sadd.s32 s3, s2  }
0x5: {  	s2 =	sadd.s32 s2, s18  }
0x6: {  	[smem:$0x3FC6] =	sst s2  }
0x7: {  	_ = 	snop  }
0x8: {  	(tm) =	ssettm $0x1  }
0x9: {  	s19 =	sld [smem:$0x3FFB];
	_ =	sdelay $0x3  }
0xa: {  	_ =	strace s19  }
0xb: {  	s2 =	sld [smem:$0x3FFC];
	_ =	sdelay $0x3  }
0xc: {  	_ =	strace s2  }
0xd: {  	s2 =	sld [smem:$0x3FFD];
	_ =	sdelay $0x3  }
0xe: {  	_ =	strace s2  }
0xf: {  	_ =	strace $0x8FFFFFFF  }
0x10: {  	s20 =	sld [smem:$0x3FDB];
	_ =	sdelay $0x1  }
0x11: {  	s21 =	simm.s32 $_scs_section_size  }
0x12: {  	s4 =	simm.s32 $_size__tile_overlayer_lowered;
	s5 =	simm.s32 $_tile_overlayer_lowered  }
0x13: {  	s6 =	simm.s32 $0x1BFF;
	s22 =	sshll.u32 s5, $0x1;
	s3 =	sadd.s32 s21, s20  }
0x14: {  	s23 =	simm.s32 $0x0;
	s4 =	sshll.u32 s4, $0x1;
	s5 =	sadd.s32 s22, s3  }
0x15: {  	[timem:s23], [sflag:s6] =	dma.local [hbm:s5], s4  }
0x16: {  	_ =	swait.ge [sflag:s6], s4  }
0x17: {  	s4 =	ssub.s32 $0x0, s4;
	[sflag:s6] =	ssyncset.done $0x0  }
0x18: {  	[sflag:s6] =	ssyncadd.s32 s4;
	_ =	sdelay $0x1  }
0x19: {  	s24 =	simm.s32 $0x1B8B  }
0x1a: {  	_ =	swait.ge [sflag:s24], $0x1  }
0x1b: {  	[sflag:s24] =	ssyncset.done $0x0  }
0x1c: {  	[sflag:s24] =	ssyncadd.s32 $0xFFFFFFFF  }
0x1d: {  	s4 =	sld [smem:$0x0]  }
0x1e: {  	s5 =	sand.u32 $0xFFFFFFFE, s1  }
0x1f: {  	p0 =	sne.s32 s1, s5  }
0x20: {  	s5 =	sshll.u32 @p0 s5, $0xE  }
0x21: {  	s5 =	sadd.s32 @p0 $0x11B8D, s5;
	s6 =	sshll.u32 @p0 s4, $0x11  }
0x22: {  	s5 =	sor.u32 @p0 s6, s5  }
0x23: {  	[sflag:s5] =	ssyncadd.remote.s32 @p0 $0x1;
	_ =	sdelay $0x1  }
0x24: {  	s5 =	simm.s32 @p0 $0x1B8D  }
0x25: {  	_ =	swait.eq @p0 [sflag:s5], $0x1  }
0x26: {  	[sflag:s5] =	ssyncadd.s32 @p0 $0xFFFFFFFF  }
0x27: {  	s6 =	sshll.u32 @!p0 s1, $0xE  }
0x28: {  	s6 =	sor.u32 @!p0 $0x4000, s6;
	s5 =	simm.s32 @!p0 $0x1B8D  }
0x29: {  	s4 =	sshll.u32 @!p0 s4, $0x11;
	s6 =	sadd.s32 @!p0 $0x11B8D, s6;
	_ =	swait.eq @!p0 [sflag:s5], $0x1  }
0x2a: {  	s4 =	sor.u32 @!p0 s4, s6;
	[sflag:s5] =	ssyncadd.s32 @!p0 $0xFFFFFFFF  }
0x2b: {  	s26 =	simm.s32 $0x1B8E;
	s25 =	sld [smem:$0x3FFE];
	[sflag:s4] =	ssyncadd.remote.s32 @!p0 $0x1  }
0x2c: {  	s27 =	simm.s32 $execute0_lowered;
	[smem:$0x3FD2] =	sst s26  }
0x2d: {  	s5 =	sshll.u32 s27, $0x1;
	_ =	strace $0x8000004C;
	[dreg:$0x1] =	wrdreg $0xFFFFFFFF  }
0x2e: {  	s28 =	simm.s32 $_size_execute0_lowered;
	s3 =	sadd.s32 s3, s5;
	[dreg:$0x0] =	wrdreg $0x0  }
0x2f: {  	s5 =	sshll.u32 s28, $0x1;
	[dreg:$0x2] =	wrdreg s3  }
0x30: {  	[dreg:$0x3] =	wrdreg s5  }
0x31: {  	[dreg:$0x4] =	wrdreg $0xC0  }
0x32: {  	_ =	task [dreg:s23], $0x5FFFF  }
0x33: {  	[dreg:$0x1] =	wrdreg $0xFFFFFFFF  }
0x34: {  	[dreg:$0x0] =	wrdreg $0x60  }
0x35: {  	[dreg:$0x2] =	wrdreg s25  }
0x36: {  	[dreg:$0x3] =	wrdreg $0xA  }
0x37: {  	_ =	task.clear_ibuf [dreg:s23], $0x4FFFF;
	_ =	strace $0x9000004C  }
0x38: {  	s29 =	simm.s32 $0xA;
	_ =	strace $0x8000004E  }
0x39: {  	_ =	swait.ge [sflag:s29], $0x1  }
0x3a: {  	[sflag:s29] =	ssyncadd.s32 $0xFFFFFFFF  }
0x3b: {  	_ =	strace $0x9000004E  }
0x3c: {  	_ =	sfence  }
0x3d: {  	s30 =	sld [smem:$0x0];
	_ =	sdelay $0x2  }
0x3e: {  	s31 =	sshll.u32 s1, $0xD;
	s1 =	sshrl.u32 s1, $0x2  }
0x3f: {  	s4 =	sand.u32 $0x4000, s31;
	s1 =	sadd.s32 s1, s30  }
0x40: {  	s0 =	sor.u32 s4, s0;
	s1 =	sshll.u32 s1, $0x11  }
0x41: {  	s0 =	sor.u32 s1, s0  }
0x42: {  	s0 =	sadd.s32 $0x8F2B, s0  }
0x43: {  	[sflag:s0] =	ssyncadd.remote.s32 $0x1  }
0x44: {  	_ =	sfence.sel $0xFFFF  }
0x45: {  	[dreg:$0x0] =	wrdreg $0xFFFFFFFF;
	(pc) =	sbr.abs _section_cstart, $3  }
0x46: {  	[dreg:$0x1] =	wrdreg $0xFFFFFFFF  }
0x47: {  	_ =	task.clear_ibuf [dreg:s23], $0x2FFFF;
	_ =	strace $0x9FFFFFFF  }
0x48: {  	(tm) =	ssettm $0x7FFFFFFF  }
0x49: {  	_ =	shalt  }
tec
execute0_lowered:
.L_overlay_start_1:
0x0: {  	(tag) =	ssettag $0x1  }
0x1: {  	s0 =	srdreg.scid  }
0x2: {  	s1 =	sshll.u32 s0, $0x4  }
0x3: {  	s0 =	stileid.u32;
	s1 =	sand.u32 $0x10, s1  }
0x4: {  	s7 =	rddreg [dreg:$0x0];
	s1 =	sor.u32 s0, s1  }
0x5: {  	s4 =	simm.s32 $0x1;
	s8 =	simm.s32 $0x2;
	s2 =	sshll.u32 s1, $0x7  }
0x6: {  	s13 =	simm.s32 $0x0;
	s9 =	simm.s32 $0x20000;
	s3 =	ssub.s32 $0x4000, s2  }
0x7: {  	s14 =	simm.s32 $0x0;
	s11 =	simm.s32 $0x0;
	s31 =	sand.u32 $0xF80, s3  }
0x8: {  	s12 =	simm.s32 $0x0;
	s6 =	sadd.s32 $0xE10C00, s7;
	p0 =	sne.s32 s31, $0x0  }
.Ltmp0:
0x9: {  	s3 =	sshrl.u32 s3, $0xC;
	s4 =	simm.s32 @!p0 $0x0;
	(pc) =	sbr.rel .LBB1_1-.Ltmp0, $4  }
0xa: {  	s1 =	rddreg [dreg:$0x1];
	_ =	strace $0x8000004D;
	s5 =	sadd.s32 s4, s3  }
0xb: {  	s10 =	smov.u32 s2;
	s4 =	simm.s32 $0x1;
	s5 =	smul.u32 $0x19, s5  }
0xc: {  	p0 =	por $0x0, $0x0;
	s3 =	sadd.s32 $0xC00, s7;
	[sflag:s4] =	ssyncpa.u1 $0x0  }
0xd: {  	s7 =	sadd.s32 $0x40C00, s7;
	[sflag:s8] =	ssyncpa.u1 $0x0;
	s8 =	sadd.s32 $0x1, s5  }
.LBB1_7:
0xe: {  	s15 =	sadd.s32 $0x1000, s10  }
0xf: {  	s13 =	sadd.s32 $0x2, s11;
	s17 =	smov.u32 s11;
	p2 =	sgt.s32 s15, $0x3FFF  }
0x10: {  	s17 =	smov.u32 @p2 s13  }
0x11: {  	s15 =	smov.u32 @p2 s2;
	p2 =	sgt.s32 s17, $0x31  }
0x12: {  	s17 =	simm.s32 @p2 $0x0;
	p2 =	sne.s32 s12, s8  }
.Ltmp1:
0x13: {  	p1 =	slt.u32 s12, $0x2;
	(pc) =	sbr.rel @!p2 .LBB1_8-.Ltmp1, $4  }
0x14: {  	s16 =	simm.s32 @!p1 $0x2  }
0x15: {  	s14 =	smov.u32 s11;
	p0 =	por !p0, !p0;
	_ =	swait.ge @!p1 [sflag:s16], $0x2000  }
0x16: {  	s13 =	smov.u32 s10;
	[sflag:s16] =	ssyncset.done @!p1 $0x0;
	s10 =	smov.u32 s15  }
0x17: {  	s12 =	sadd.s32 $0x1, s12;
	[sflag:s16] =	ssyncadd.s32 @!p1 $0xFFFFE000;
	s11 =	smov.u32 s17  }
.LBB1_1:
0x18: {  	p1 =	sge.u32 s12, s5  }
0x19: {  	s15 =	sxor.u32 @!p1 $0xFFFFFFFF, s12;
	s16 =	sshll.u32 @!p1 s11, $0x12  }
0x1a: {  	s17 =	sshll.u32 @!p1 s10, $0x4;
	s19 =	simm.s32 @!p1 $0x20;
	s20 =	simm.s32 @!p1 $0x80  }
0x1b: {  	s15 =	sshll.u32 @!p1 s15, $0xD;
	s17 =	sand.u32 @!p1 $0x3FFF0, s17;
	s18 =	sadd.s32 @!p1 s3, s16  }
0x1c: {  	s16 =	sadd.s32 @!p1 s16, s7;
	s15 =	sand.u32 @!p1 $0x2000, s15;
	s18 =	sadd.s32 @!p1 s17, s18  }
0x1d: {  	[tilespmem:s15], [sflag:$0x1] =	stream.strided.gather @!p1 [hbm4b:s18+s19], $0x1000, s20, s19, $0x38;
	[tilespmem:$0x8080] =	vst v63  }
0x1e: {  	s31 =	sadd.s32 $0xFFFFFFFF, s12;
	s16 =	sadd.s32 @!p1 s17, s16;
	s15 =	sor.u32 @!p1 $0x1000, s15  }
0x1f: {  	[tilespmem:s15], [sflag:$0x1] =	stream.strided.gather @!p1 [hbm4b:s16+s19], $0x1000, s20, s19, $0x38;
	[tilespmem:$0x8080] =	vst v63  }
0x20: {  	p1 =	sge.u32 s31, s5  }
.Ltmp2:
0x21: {  	_ = 	snop;
	(pc) =	sbr.rel @p1 .LBB1_7-.Ltmp2, $1  }
0x22: {  	_ =	sdelay $0x3  }
0x23: {  	s15 =	simm.s32 $0x1;
	s17 =	sand.u32 $0x1, s12  }
0x24: {  	_ =	swait.ge [sflag:s4], $0x2000;
	s15 =	simm.s32 @!p0 $0x0;
	s17 =	smul.u32 $0x8100, s17  }
0x25: {  	p2 =	por $0x1, $0x1;
	[sflag:s4] =	ssyncset.done $0x0;
	s16 =	smul.u32 $0x8100, s15  }
0x26: {  	s18 =	sshll.u32 s15, $0xF;
	[sflag:s4] =	ssyncadd.s32 $0xFFFFE000;
	s30 =	sshrl.u32 s17, $0x2  }
0x27: {  	s31 =	sshrl.u32 s18, $0x2;
	s18 =	simm.s32 $0x0;
	s16 =	sshrl.u32 s16, $0x2  }
0x28: {  	s15 =	sor.u32 $0x4000, s30;
	s17 =	sadd.s32 $0x10, s31;
	s16 =	sor.u32 $0x4000, s16  }
.LBB1_3:
0x29: {  	s19 =	sshll.u32 s18, $0xC  }
0x2a: {  	s19 =	sand.u32 $0x3FFFF000, s19  }
0x2b: {  	s20 =	sadd.s32 s19, s17  }
0x2c: {  	s31 =	smul.u32 $0x4080, s18;
	v1 =	vld [tilespmem:s20+$0x0]  }
0x2d: {  	v0 =	vld [tilespmem:s20+$0xFFFFFFF0]  }
0x2e: {  	s18 =	sshra.s32 s31, $0x2  }
0x2f: {  	s18 =	sadd.s32 s18, s16  }
0x30: {  	s21 =	sadd.s32 $0x0, s18  }
0x31: {  	p1 =	por p2, p2;
	s19 =	simm.s32 $0x4;
	s20 =	sadd.s32 $0x20, s20;
	[tilespmem:s21+$0x810 ss:$0x81] =	vst.msk $0xffff, v1  }
.LBB1_4:
0x32: {  	v1 =	vld [tilespmem:s20+$0x0];
	p2 =	sne.s32 s19, $0x1FC;
	[tilespmem:s21+$0x0 ss:$0x81] =	vst.msk $0xffff, v0;
	s21 =	smov.u32 s19;
	s19 =	sadd.s32 $0x4, s19  }
.Ltmp3:
0x33: {  	v0 =	vld [tilespmem:s20+$0xFFFFFFF0];
	(pc) =	sbr.rel @p2 .LBB1_4-.Ltmp3, $4  }
0x34: {  	_ = 	snop  }
0x35: {  	s21 =	sshra.s32 s21, $0x2  }
0x36: {  	s21 =	sadd.s32 s21, s18  }
0x37: {  	s20 =	sadd.s32 $0x20, s20;
	[tilespmem:s21+$0x810 ss:$0x81] =	vst.msk $0xffff, v1  }
.Ltmp4:
0x38: {  	(pc) =	sbr.rel @p1 .LBB1_3-.Ltmp4, $2  }
0x39: {  	_ =	sdelay $0x2  }
0x3a: {  	[tilespmem:s21+$0x0 ss:$0x81] =	vst.msk $0xffff, v0;
	s18 =	simm.s32 $0x1;
	p2 =	por $0x0, $0x0  }
0x3b: {  	s16 =	sshll.u32 s13, $0x3;
	s17 =	sand.u32 $0x78, s13;
	s14 =	sshll.u32 s14, $0x10  }
.Ltmp5:
0x3c: {  	s30 =	sand.u32 $0xF800, s13;
	s16 =	sand.u32 $0x3C00, s16;
	(pc) =	sbr.rel .LBB1_7-.Ltmp5, $4  }
0x3d: {  	s31 =	sand.u32 $0x7, s13;
	s14 =	sadd.s32 s6, s14;
	s16 =	sor.u32 s17, s16  }
0x3e: {  	s13 =	sshll.u32 s31, $0x12;
	s14 =	sadd.s32 s30, s14;
	s16 =	sshrl.u32 s16, $0x3  }
0x3f: {  	s13 =	sor.u32 $0x400, s13;
	s14 =	sadd.s32 s16, s14  }
0x40: {  	[hbm4b:s14+s13] =	stream.strided.scatter [tilespmem:s15], [sflag:$0x2], $0x2000, s9, s13, $0x20;
	[tilespmem:$0x8080] =	vst v63  }
.LBB1_8:
0x41: {  	_ =	sfence.sel $0x180000  }
0x42: {  	s2 =	simm.s32 $0x1;
	[bflag:$0x0] =	sbarrier.arrive $0xFFFF  }
0x43: {  	s31 =	simm.s32 $0x2;
	[sflag:s2] =	ssyncpa.u1 $0x1  }
0x44: {  	[sflag:s31] =	ssyncpa.u1 $0x1  }
0x45: {  	p0 =	sne.s32 s0, $0x0;
	_ =	strace $0x9000004D  }
0x46: {  	s0 =	sadd.s32 @!p0 $0x100000, s1;
	[bflag:$0x2] =	sbarrier.arrive $0xFFFF  }
0x47: {  	[sflag:s0] =	ssyncadd.tile.s32 @!p0 $0x1;
	_ =	shalt  }
.Lfunc_end1:
_tile_overlayer_lowered:
.L_overlay_start_2:
0x48: {  	(tag) =	ssettag $0x2  }
0x49: {  	s0 =	rddreg [dreg:$0x0];
	s2 =	stileid.u32  }
0x4a: {  	s1 =	rddreg [dreg:$0x1];
	p0 =	sne.s32 s2, $0x0  }
0x4b: {  	s3 =	rddreg [dreg:$0x2];
	[bflag:$0x3] =	sbarrier.arrive $0xFFFF;
	s2 =	simm.s32 @!p0 $0x1C01  }
0x4c: {  	[timem:s3], [sflag:s2] =	dma.local @!p0 [hbm:s0], s1  }
0x4d: {  	s0 =	simm.s32 @!p0 $0x1  }
0x4e: {  	_ =	swait.ge @!p0 [sflag:s0], s1  }
0x4f: {  	s1 =	ssub.s32 @!p0 $0x0, s1;
	[sflag:s0] =	ssyncset.done @!p0 $0x0  }
0x50: {  	[sflag:s0] =	ssyncadd.s32 @!p0 s1  }
0x51: {  	[bflag:$0x3] =	sbarrier.arrive $0xFFFF  }
0x52: {  	_ =	shalt  }

</sc_bundles>
